<compile_context>
chip_gen: v7x
topology: tpu7x:2x2x1
jax: 0.10.2.dev20260603
libtpu: 0.0.44.dev20260713+nightly
codegen_flags: <defaults>
</compile_context>

<pallas_src>
import functools

import jax
import jax.numpy as jnp
from jax import lax
from jax.experimental import pallas as pl
from jax.experimental.pallas import tpu as pltpu

_CONF = 0.25
_IOU_THR = 0.45
_MAX_DET = 300
_LANES = 128
_MD_PAD = 304
_NPLANES = 11
_GBATCH = 16


def _prep_body(pred_ref, out_ref, *, img_max, nc, rows):
    score = pred_ref[0, 4]
    for c in range(1, nc):
        score = jnp.maximum(score, pred_ref[0, 4 + c])
    clsi = jnp.full((rows, _LANES), nc, jnp.int32)
    for c in range(nc):
        clsi = jnp.minimum(clsi, jnp.where(pred_ref[0, 4 + c] == score, c, nc))
    clsf = clsi.astype(jnp.float32)

    bx = pred_ref[0, 0]
    by = pred_ref[0, 1]
    hw = pred_ref[0, 2] / 2.0
    hh = pred_ref[0, 3] / 2.0
    x1 = bx - hw
    y1 = by - hh
    x2 = bx + hw
    y2 = by + hh
    nx1 = x1 / img_max + clsf
    ny1 = y1 / img_max + clsf
    nx2 = x2 / img_max + clsf
    ny2 = y2 / img_max + clsf
    a2 = jnp.maximum(nx2 - nx1, 0.0) * jnp.maximum(ny2 - ny1, 0.0)

    out_ref[0, 0] = jnp.where(score > _CONF, score, -jnp.inf)
    out_ref[0, 1] = x1
    out_ref[0, 2] = y1
    out_ref[0, 3] = x2
    out_ref[0, 4] = y2
    out_ref[0, 5] = nx1
    out_ref[0, 6] = ny1
    out_ref[0, 7] = nx2
    out_ref[0, 8] = ny2
    out_ref[0, 9] = clsf
    out_ref[0, 10] = a2


def _red(op, a):
    return op(op(a, axis=1, keepdims=True), axis=2, keepdims=True)


def _loop_body(pl_ref, out_ref, s_ref, *, img_max, rows):
    s_ref[...] = pl_ref[0, :, 0]

    iota3 = (lax.broadcasted_iota(jnp.int32, (1, rows, _LANES), 1) * _LANES
             + lax.broadcasted_iota(jnp.int32, (1, rows, _LANES), 2))
    lane8 = lax.broadcasted_iota(jnp.int32, (1, 1, 8), 2)
    neg_inf = jnp.float32(-jnp.inf)
    big = rows * _LANES

    def step(t, carry):
        s = s_ref[...]
        m = _red(jnp.max, s)
        idxv = _red(jnp.min, jnp.where(s == m, iota3, big))
        selmask = iota3 == idxv

        def ext(k):
            return _red(jnp.sum, jnp.where(selmask, pl_ref[0, :, k], 0.0))

        b_ox1 = ext(1)
        b_oy1 = ext(2)
        b_ox2 = ext(3)
        b_oy2 = ext(4)
        b_cls = ext(9)
        b_nx1 = b_ox1 / img_max + b_cls
        b_ny1 = b_oy1 / img_max + b_cls
        b_nx2 = b_ox2 / img_max + b_cls
        b_ny2 = b_oy2 / img_max + b_cls
        a1 = jnp.maximum(b_nx2 - b_nx1, 0.0) * jnp.maximum(b_ny2 - b_ny1, 0.0)

        ltx = jnp.maximum(b_nx1, pl_ref[0, :, 5])
        lty = jnp.maximum(b_ny1, pl_ref[0, :, 6])
        rbx = jnp.minimum(b_nx2, pl_ref[0, :, 7])
        rby = jnp.minimum(b_ny2, pl_ref[0, :, 8])
        inter = jnp.maximum(rbx - ltx, 0.0) * jnp.maximum(rby - lty, 0.0)
        iou = inter / (a1 + pl_ref[0, :, 10] - inter + 1e-7)
        kill = (iou > _IOU_THR) | selmask
        s_ref[...] = jnp.where(kill, neg_inf, s)

        ok = m > neg_inf
        okf = jnp.where(ok, 1.0, 0.0)
        sval = jnp.where(ok, m, 0.0)
        row = jnp.where(lane8 == 0, b_ox1,
              jnp.where(lane8 == 1, b_oy1,
              jnp.where(lane8 == 2, b_ox2,
              jnp.where(lane8 == 3, b_oy2,
              jnp.where(lane8 == 4, sval,
              jnp.where(lane8 == 5, b_cls, 0.0)))))) * okf
        out_ref[0, :, pl.ds(t, 1), :] = row
        return carry

    lax.fori_loop(0, _MAX_DET, step, 0)


def _make_calls(B, C, rows, img_max, nc):
    prep = pl.pallas_call(
        functools.partial(_prep_body, img_max=img_max, nc=nc, rows=rows),
        grid=(B,),
        in_specs=[pl.BlockSpec((1, C, rows, _LANES), lambda b: (b, 0, 0, 0))],
        out_specs=pl.BlockSpec((1, _NPLANES, rows, _LANES), lambda b: (b, 0, 0, 0)),
        out_shape=jax.ShapeDtypeStruct((B, _NPLANES, rows, _LANES), jnp.float32),
    )
    gb = _GBATCH if B % _GBATCH == 0 else B
    loop = pl.pallas_call(
        functools.partial(_loop_body, img_max=img_max, rows=rows),
        grid=(B // gb,),
        in_specs=[pl.BlockSpec((1, gb, _NPLANES, rows, _LANES),
                               lambda g: (g, 0, 0, 0, 0))],
        out_specs=pl.BlockSpec((1, gb, _MD_PAD, 8), lambda g: (g, 0, 0, 0)),
        out_shape=jax.ShapeDtypeStruct((B // gb, gb, _MD_PAD, 8), jnp.float32),
        scratch_shapes=[pltpu.VMEM((gb, rows, _LANES), jnp.float32)],
    )
    return prep, loop, gb


@jax.jit
def kernel(x, pred):
    img_max = float(max(x.shape[2], x.shape[3]))
    B, C, A = pred.shape
    nc = C - 4
    ap = ((A + 1023) // 1024) * 1024
    rows = ap // _LANES
    predp = jnp.pad(pred, ((0, 0), (0, 0), (0, ap - A)))
    predp = predp.reshape(B, C, rows, _LANES)
    prep, loop, gb = _make_calls(B, C, rows, img_max, nc)
    planes = prep(predp)
    out = loop(planes.reshape(B // gb, gb, _NPLANES, rows, _LANES))
    return out.reshape(B, _MD_PAD, 8)[:, :_MAX_DET, :6]

# --- scband reference (transcript-rebuilt; emitter-appended) ---
"""Pipeline reference for scband-nmsmodel-30837865185870 (READ-ONLY COPY).

The authoritative reference and input builder live on the scoring server;
editing this copy changes nothing except your own understanding.
"""

import jax, jax.numpy as jnp
import numpy as np

NC = 80
MAX_DET = 300
CONF = 0.25
IOU_THR = 0.45

def setup_inputs(seed: int = 0) -> dict:
    key = jax.random.key(seed)
    k1, k2 = jax.random.split(key)
    pred = jax.random.uniform(k1, (16, 4 + NC, 20000), dtype=jnp.float32)
    x = jax.random.normal(k2, (16, 3, 640, 640), dtype=jnp.float32)
    return {"x": x, "pred": pred}

def xywh2xyxy(b):
    xy = b[..., :2]
    wh = b[..., 2:4] / 2.0
    return jnp.concatenate([xy - wh, xy + wh], axis=-1)

def _iou_one_vs_all(box, boxes):
    lt = jnp.maximum(box[:2], boxes[:, :2])
    rb = jnp.minimum(box[2:], boxes[:, 2:])
    wh = jnp.clip(rb - lt, 0.0, None)
    inter = wh[:, 0] * wh[:, 1]
    a1 = jnp.clip(box[2] - box[0], 0.0, None) * jnp.clip(box[3] - box[1], 0.0, None)
    a2 = jnp.clip(boxes[:, 2] - boxes[:, 0], 0.0, None) * jnp.clip(boxes[:, 3] - boxes[:, 1], 0.0, None)
    return inter / (a1 + a2 - inter + 1e-7)

def _greedy_nms(nmsbox, score, valid):
    # Greedy NMS keeping up to MAX_DET indices; suppressed/low-conf -> -inf score.
    s0 = jnp.where(valid, score, -jnp.inf)
    def step(s, _):
        idx = jnp.argmax(s)
        ok = s[idx] > -jnp.inf
        kept = jnp.where(ok, idx.astype(jnp.int32), jnp.int32(-1))
        iou = _iou_one_vs_all(nmsbox[idx], nmsbox)
        s = jnp.where(iou > IOU_THR, -jnp.inf, s)
        s = s.at[idx].set(-jnp.inf)
        return s, kept
    _, keep = jax.lax.scan(step, s0, None, length=MAX_DET)
    return keep

def _postprocess_one(p, img_max):
    # p: [A, 4+NC]
    box = p[:, :4]
    cls_scores = p[:, 4:4 + NC]
    score = jnp.max(cls_scores, axis=-1)
    cls = jnp.argmax(cls_scores, axis=-1).astype(p.dtype)
    valid = score > CONF  # conf-threshold mask (torch boolean-indexes; here mask via -inf)
    box = xywh2xyxy(box)
    nmsbox = box / img_max  # multiplier=1 (non-OBB), normalize by max image side
    nmsbox = nmsbox + cls[:, None]  # per-class offset (agnostic_nms=False), end=4
    keep = _greedy_nms(jax.lax.stop_gradient(nmsbox), jax.lax.stop_gradient(score), valid)
    safe = jnp.maximum(keep, 0)
    kmask = (keep >= 0).astype(p.dtype)[:, None]
    dets = jnp.concatenate([box[safe], score[safe][:, None], cls[safe][:, None]], axis=-1)
    return dets * kmask  # zero-pad rows beyond kept detections

def reference(x, pred):
    img_max = float(max(x.shape[2], x.shape[3]))
    p = jnp.swapaxes(pred, -1, -2)  # [B, A, 4+NC], mirrors pred.transpose(-1, -2)
    out = jax.vmap(lambda pi: _postprocess_one(pi, img_max))(p)
    return out  # [B, MAX_DET, 6] = boxes(4) + score(1) + class(1)

if __name__ == "__main__":
    import jax
    _d = setup_inputs()
    print(jax.jit(kernel)(*tuple(_d.values())))

</pallas_src>

<mosaic_0001>
module attributes {stable_mosaic.version = 14 : i64} {
  func.func @_loop_body(%arg0: i32, %arg1: memref<1x16x11x160x128xf32, #tpu.memory_space<vmem>>, %arg2: memref<1x16x304x8xf32, #tpu.memory_space<vmem>>, %arg3: memref<16x160x128xf32, #tpu.memory_space<vmem>>) attributes {dimension_semantics = [#tpu.dimension_semantics<arbitrary>], iteration_bounds = array<i64: 1>, scalar_prefetch = 0 : i64, scratch_operands = 1 : i64, tpu.core_type = #tpu.core_type<tc>, window_params = [{transform_indices = @transform_0, window_bounds = array<i64: 1, 16, 11, 160, 128>}, {transform_indices = @transform_1, window_bounds = array<i64: 1, 16, 304, 8>}]} {
    %get3A = arith.constant 0 : index
    %get3A_0 = arith.constant 0 : index
    %get3A_1 = arith.constant 0 : index
    %get3A_2 = arith.constant 0 : index
    %get3A_3 = arith.constant 0 : index
    %get3A_4 = vector.load %arg1[%get3A, %get3A_0, %get3A_1, %get3A_2, %get3A_3] : memref<1x16x11x160x128xf32, #tpu.memory_space<vmem>>, vector<1x16x1x160x128xf32>
    %get3A_5 = vector.shape_cast %get3A_4 : vector<1x16x1x160x128xf32> to vector<16x160x128xf32>
    %swap3A = arith.constant 0 : index
    %swap3A_6 = arith.constant 0 : index
    %swap3A_7 = arith.constant 0 : index
    %swap3A_8 = vector.load %arg3[%swap3A, %swap3A_6, %swap3A_7] : memref<16x160x128xf32, #tpu.memory_space<vmem>>, vector<16x160x128xf32>
    tpu.vector_store %arg3[%swap3A, %swap3A_6, %swap3A_7], %get3A_5 {strides = array<i32>} : memref<16x160x128xf32, #tpu.memory_space<vmem>>, vector<16x160x128xf32>,
    %iota3A = tpu.iota {dimensions = array<i32: 1>} : vector<1x160x128xi32>
    %mul3A = arith.constant 128 : i32
    %mul3A_9 = vector.broadcast %mul3A : i32 to vector<1x160x128xi32>
    %mul3A_10 = arith.muli %iota3A, %mul3A_9 : vector<1x160x128xi32>
    %iota3A_11 = tpu.iota {dimensions = array<i32: 2>} : vector<1x160x128xi32>
    %add3A = arith.addi %mul3A_10, %iota3A_11 : vector<1x160x128xi32>
    %iota3A_12 = tpu.iota {dimensions = array<i32: 2>} : vector<1x1x8xi32>
    %scan3A = arith.constant 0xFF800000 : f32
    %scan3A_13 = arith.constant 0 : i32
    %scan3A_14 = arith.constant 300 : i32
    %scan3A_15 = arith.addi %scan3A_13, %scan3A_14 : i32
    %scan3A_16 = arith.constant 1 : i32
    scf.for %scan3A_18 = %scan3A_13 to %scan3A_15 step %scan3A_16  : i32 {
      %get3A_19 = arith.constant 0 : index
      %get3A_20 = arith.constant 0 : index
      %get3A_21 = arith.constant 0 : index
      %get3A_22 = vector.load %arg3[%get3A_19, %get3A_20, %get3A_21] : memref<16x160x128xf32, #tpu.memory_space<vmem>>, vector<16x160x128xf32>
      %reduce_max3A = arith.constant dense<0xFF800000> : vector<16x128xf32>
      %reduce_max3A_23 = vector.multi_reduction <maximumf>, %get3A_22, %reduce_max3A [1] : vector<16x160x128xf32> to vector<16x128xf32>
      %broadcast_in_dim3A = vector.shape_cast %reduce_max3A_23 : vector<16x128xf32> to vector<16x1x128xf32>
      %reduce_max3A_24 = arith.constant dense<0xFF800000> : vector<16x1xf32>
      %reduce_max3A_25 = vector.multi_reduction <maximumf>, %broadcast_in_dim3A, %reduce_max3A_24 [2] : vector<16x1x128xf32> to vector<16x1xf32>
      %broadcast_in_dim3A_26 = vector.shape_cast %reduce_max3A_25 : vector<16x1xf32> to vector<16x1x1xf32>
      %eq3A = vector.broadcast %broadcast_in_dim3A_26 : vector<16x1x1xf32> to vector<16x160x128xf32>
      %eq3A_27 = arith.cmpf oeq, %get3A_22, %eq3A : vector<16x160x128xf32>
      %jit3A = arith.constant 20480 : i32
      %broadcast_in_dim3A_28 = vector.shape_cast %add3A : vector<1x160x128xi32> to vector<1x160x128xi32>
      %broadcast_in_dim3A_29 = vector.broadcast %broadcast_in_dim3A_28 : vector<1x160x128xi32> to vector<16x160x128xi32>
      %broadcast_in_dim3A_30 = vector.broadcast %jit3A : i32 to vector<16x160x128xi32>
      %select_n3A = arith.select %eq3A_27, %broadcast_in_dim3A_29, %broadcast_in_dim3A_30 : vector<16x160x128xi1>, vector<16x160x128xi32>
      %reduce_min3A = arith.constant dense<2147483647> : vector<16x128xi32>
      %reduce_min3A_31 = vector.multi_reduction <minsi>, %select_n3A, %reduce_min3A [1] : vector<16x160x128xi32> to vector<16x128xi32>
      %broadcast_in_dim3A_32 = vector.shape_cast %reduce_min3A_31 : vector<16x128xi32> to vector<16x1x128xi32>
      %reduce_min3A_33 = arith.constant dense<2147483647> : vector<16x1xi32>
      %reduce_min3A_34 = vector.multi_reduction <minsi>, %broadcast_in_dim3A_32, %reduce_min3A_33 [2] : vector<16x1x128xi32> to vector<16x1xi32>
      %broadcast_in_dim3A_35 = vector.shape_cast %reduce_min3A_34 : vector<16x1xi32> to vector<16x1x1xi32>
      %eq3A_36 = vector.broadcast %add3A : vector<1x160x128xi32> to vector<16x160x128xi32>
      %eq3A_37 = vector.broadcast %broadcast_in_dim3A_35 : vector<16x1x1xi32> to vector<16x160x128xi32>
      %eq3A_38 = arith.cmpi eq, %eq3A_36, %eq3A_37 : vector<16x160x128xi32>
      %get3A_39 = arith.constant 0 : index
      %get3A_40 = arith.constant 0 : index
      %get3A_41 = arith.constant 1 : index
      %get3A_42 = arith.constant 0 : index
      %get3A_43 = arith.constant 0 : index
      %get3A_44 = vector.load %arg1[%get3A_39, %get3A_40, %get3A_41, %get3A_42, %get3A_43] : memref<1x16x11x160x128xf32, #tpu.memory_space<vmem>>, vector<1x16x1x160x128xf32>
      %get3A_45 = vector.shape_cast %get3A_44 : vector<1x16x1x160x128xf32> to vector<16x160x128xf32>
      %jit3A_46 = arith.constant 0.000000e+00 : f32
      %broadcast_in_dim3A_47 = vector.broadcast %jit3A_46 : f32 to vector<16x160x128xf32>
      %select_n3A_48 = arith.select %eq3A_38, %get3A_45, %broadcast_in_dim3A_47 : vector<16x160x128xi1>, vector<16x160x128xf32>
      %reduce_sum3A = arith.constant dense<0.000000e+00> : vector<16x128xf32>
      %reduce_sum3A_49 = vector.multi_reduction <add>, %select_n3A_48, %reduce_sum3A [1] : vector<16x160x128xf32> to vector<16x128xf32>
      %broadcast_in_dim3A_50 = vector.shape_cast %reduce_sum3A_49 : vector<16x128xf32> to vector<16x1x128xf32>
      %reduce_sum3A_51 = arith.constant dense<0.000000e+00> : vector<16x1xf32>
      %reduce_sum3A_52 = vector.multi_reduction <add>, %broadcast_in_dim3A_50, %reduce_sum3A_51 [2] : vector<16x1x128xf32> to vector<16x1xf32>
      %broadcast_in_dim3A_53 = vector.shape_cast %reduce_sum3A_52 : vector<16x1xf32> to vector<16x1x1xf32>
      %get3A_54 = arith.constant 0 : index
      %get3A_55 = arith.constant 0 : index
      %get3A_56 = arith.constant 2 : index
      %get3A_57 = arith.constant 0 : index
      %get3A_58 = arith.constant 0 : index
      %get3A_59 = vector.load %arg1[%get3A_54, %get3A_55, %get3A_56, %get3A_57, %get3A_58] : memref<1x16x11x160x128xf32, #tpu.memory_space<vmem>>, vector<1x16x1x160x128xf32>
      %get3A_60 = vector.shape_cast %get3A_59 : vector<1x16x1x160x128xf32> to vector<16x160x128xf32>
      %jit3A_61 = arith.constant 0.000000e+00 : f32
      %broadcast_in_dim3A_62 = vector.broadcast %jit3A_61 : f32 to vector<16x160x128xf32>
      %select_n3A_63 = arith.select %eq3A_38, %get3A_60, %broadcast_in_dim3A_62 : vector<16x160x128xi1>, vector<16x160x128xf32>
      %reduce_sum3A_64 = arith.constant dense<0.000000e+00> : vector<16x128xf32>
      %reduce_sum3A_65 = vector.multi_reduction <add>, %select_n3A_63, %reduce_sum3A_64 [1] : vector<16x160x128xf32> to vector<16x128xf32>
      %broadcast_in_dim3A_66 = vector.shape_cast %reduce_sum3A_65 : vector<16x128xf32> to vector<16x1x128xf32>
      %reduce_sum3A_67 = arith.constant dense<0.000000e+00> : vector<16x1xf32>
      %reduce_sum3A_68 = vector.multi_reduction <add>, %broadcast_in_dim3A_66, %reduce_sum3A_67 [2] : vector<16x1x128xf32> to vector<16x1xf32>
      %broadcast_in_dim3A_69 = vector.shape_cast %reduce_sum3A_68 : vector<16x1xf32> to vector<16x1x1xf32>
      %get3A_70 = arith.constant 0 : index
      %get3A_71 = arith.constant 0 : index
      %get3A_72 = arith.constant 3 : index
      %get3A_73 = arith.constant 0 : index
      %get3A_74 = arith.constant 0 : index
      %get3A_75 = vector.load %arg1[%get3A_70, %get3A_71, %get3A_72, %get3A_73, %get3A_74] : memref<1x16x11x160x128xf32, #tpu.memory_space<vmem>>, vector<1x16x1x160x128xf32>
      %get3A_76 = vector.shape_cast %get3A_75 : vector<1x16x1x160x128xf32> to vector<16x160x128xf32>
      %jit3A_77 = arith.constant 0.000000e+00 : f32
      %broadcast_in_dim3A_78 = vector.broadcast %jit3A_77 : f32 to vector<16x160x128xf32>
      %select_n3A_79 = arith.select %eq3A_38, %get3A_76, %broadcast_in_dim3A_78 : vector<16x160x128xi1>, vector<16x160x128xf32>
      %reduce_sum3A_80 = arith.constant dense<0.000000e+00> : vector<16x128xf32>
      %reduce_sum3A_81 = vector.multi_reduction <add>, %select_n3A_79, %reduce_sum3A_80 [1] : vector<16x160x128xf32> to vector<16x128xf32>
      %broadcast_in_dim3A_82 = vector.shape_cast %reduce_sum3A_81 : vector<16x128xf32> to vector<16x1x128xf32>
      %reduce_sum3A_83 = arith.constant dense<0.000000e+00> : vector<16x1xf32>
      %reduce_sum3A_84 = vector.multi_reduction <add>, %broadcast_in_dim3A_82, %reduce_sum3A_83 [2] : vector<16x1x128xf32> to vector<16x1xf32>
      %broadcast_in_dim3A_85 = vector.shape_cast %reduce_sum3A_84 : vector<16x1xf32> to vector<16x1x1xf32>
      %get3A_86 = arith.constant 0 : index
      %get3A_87 = arith.constant 0 : index
      %get3A_88 = arith.constant 4 : index
      %get3A_89 = arith.constant 0 : index
      %get3A_90 = arith.constant 0 : index
      %get3A_91 = vector.load %arg1[%get3A_86, %get3A_87, %get3A_88, %get3A_89, %get3A_90] : memref<1x16x11x160x128xf32, #tpu.memory_space<vmem>>, vector<1x16x1x160x128xf32>
      %get3A_92 = vector.shape_cast %get3A_91 : vector<1x16x1x160x128xf32> to vector<16x160x128xf32>
      %jit3A_93 = arith.constant 0.000000e+00 : f32
      %broadcast_in_dim3A_94 = vector.broadcast %jit3A_93 : f32 to vector<16x160x128xf32>
      %select_n3A_95 = arith.select %eq3A_38, %get3A_92, %broadcast_in_dim3A_94 : vector<16x160x128xi1>, vector<16x160x128xf32>
      %reduce_sum3A_96 = arith.constant dense<0.000000e+00> : vector<16x128xf32>
      %reduce_sum3A_97 = vector.multi_reduction <add>, %select_n3A_95, %reduce_sum3A_96 [1] : vector<16x160x128xf32> to vector<16x128xf32>
      %broadcast_in_dim3A_98 = vector.shape_cast %reduce_sum3A_97 : vector<16x128xf32> to vector<16x1x128xf32>
      %reduce_sum3A_99 = arith.constant dense<0.000000e+00> : vector<16x1xf32>
      %reduce_sum3A_100 = vector.multi_reduction <add>, %broadcast_in_dim3A_98, %reduce_sum3A_99 [2] : vector<16x1x128xf32> to vector<16x1xf32>
      %broadcast_in_dim3A_101 = vector.shape_cast %reduce_sum3A_100 : vector<16x1xf32> to vector<16x1x1xf32>
      %get3A_102 = arith.constant 0 : index
      %get3A_103 = arith.constant 0 : index
      %get3A_104 = arith.constant 9 : index
      %get3A_105 = arith.constant 0 : index
      %get3A_106 = arith.constant 0 : index
      %get3A_107 = vector.load %arg1[%get3A_102, %get3A_103, %get3A_104, %get3A_105, %get3A_106] : memref<1x16x11x160x128xf32, #tpu.memory_space<vmem>>, vector<1x16x1x160x128xf32>
      %get3A_108 = vector.shape_cast %get3A_107 : vector<1x16x1x160x128xf32> to vector<16x160x128xf32>
      %jit3A_109 = arith.constant 0.000000e+00 : f32
      %broadcast_in_dim3A_110 = vector.broadcast %jit3A_109 : f32 to vector<16x160x128xf32>
      %select_n3A_111 = arith.select %eq3A_38, %get3A_108, %broadcast_in_dim3A_110 : vector<16x160x128xi1>, vector<16x160x128xf32>
      %reduce_sum3A_112 = arith.constant dense<0.000000e+00> : vector<16x128xf32>
      %reduce_sum3A_113 = vector.multi_reduction <add>, %select_n3A_111, %reduce_sum3A_112 [1] : vector<16x160x128xf32> to vector<16x128xf32>
      %broadcast_in_dim3A_114 = vector.shape_cast %reduce_sum3A_113 : vector<16x128xf32> to vector<16x1x128xf32>
      %reduce_sum3A_115 = arith.constant dense<0.000000e+00> : vector<16x1xf32>
      %reduce_sum3A_116 = vector.multi_reduction <add>, %broadcast_in_dim3A_114, %reduce_sum3A_115 [2] : vector<16x1x128xf32> to vector<16x1xf32>
      %broadcast_in_dim3A_117 = vector.shape_cast %reduce_sum3A_116 : vector<16x1xf32> to vector<16x1x1xf32>
      %div3A = arith.constant 6.400000e+02 : f32
      %div3A_118 = vector.broadcast %div3A : f32 to vector<16x1x1xf32>
      %div3A_119 = arith.divf %broadcast_in_dim3A_53, %div3A_118 : vector<16x1x1xf32>
      %add3A_120 = arith.addf %div3A_119, %broadcast_in_dim3A_117 : vector<16x1x1xf32>
      %div3A_121 = arith.constant 6.400000e+02 : f32
      %div3A_122 = vector.broadcast %div3A_121 : f32 to vector<16x1x1xf32>
      %div3A_123 = arith.divf %broadcast_in_dim3A_69, %div3A_122 : vector<16x1x1xf32>
      %add3A_124 = arith.addf %div3A_123, %broadcast_in_dim3A_117 : vector<16x1x1xf32>
      %div3A_125 = arith.constant 6.400000e+02 : f32
      %div3A_126 = vector.broadcast %div3A_125 : f32 to vector<16x1x1xf32>
      %div3A_127 = arith.divf %broadcast_in_dim3A_85, %div3A_126 : vector<16x1x1xf32>
      %add3A_128 = arith.addf %div3A_127, %broadcast_in_dim3A_117 : vector<16x1x1xf32>
      %div3A_129 = arith.constant 6.400000e+02 : f32
      %div3A_130 = vector.broadcast %div3A_129 : f32 to vector<16x1x1xf32>
      %div3A_131 = arith.divf %broadcast_in_dim3A_101, %div3A_130 : vector<16x1x1xf32>
      %add3A_132 = arith.addf %div3A_131, %broadcast_in_dim3A_117 : vector<16x1x1xf32>
      %sub3A = arith.subf %add3A_128, %add3A_120 : vector<16x1x1xf32>
      %max3A = arith.constant 0.000000e+00 : f32
      %max3A_133 = vector.broadcast %max3A : f32 to vector<16x1x1xf32>
      %max3A_134 = arith.maximumf %sub3A, %max3A_133 : vector<16x1x1xf32>
      %sub3A_135 = arith.subf %add3A_132, %add3A_124 : vector<16x1x1xf32>
      %max3A_136 = arith.constant 0.000000e+00 : f32
      %max3A_137 = vector.broadcast %max3A_136 : f32 to vector<16x1x1xf32>
      %max3A_138 = arith.maximumf %sub3A_135, %max3A_137 : vector<16x1x1xf32>
      %mul3A_139 = arith.mulf %max3A_134, %max3A_138 : vector<16x1x1xf32>
      %get3A_140 = arith.constant 0 : index
      %get3A_141 = arith.constant 0 : index
      %get3A_142 = arith.constant 5 : index
      %get3A_143 = arith.constant 0 : index
      %get3A_144 = arith.constant 0 : index
      %get3A_145 = vector.load %arg1[%get3A_140, %get3A_141, %get3A_142, %get3A_143, %get3A_144] : memref<1x16x11x160x128xf32, #tpu.memory_space<vmem>>, vector<1x16x1x160x128xf32>
      %get3A_146 = vector.shape_cast %get3A_145 : vector<1x16x1x160x128xf32> to vector<16x160x128xf32>
      %max3A_147 = vector.broadcast %add3A_120 : vector<16x1x1xf32> to vector<16x160x128xf32>
      %max3A_148 = arith.maximumf %max3A_147, %get3A_146 : vector<16x160x128xf32>
      %get3A_149 = arith.constant 0 : index
      %get3A_150 = arith.constant 0 : index
      %get3A_151 = arith.constant 6 : index
      %get3A_152 = arith.constant 0 : index
      %get3A_153 = arith.constant 0 : index
      %get3A_154 = vector.load %arg1[%get3A_149, %get3A_150, %get3A_151, %get3A_152, %get3A_153] : memref<1x16x11x160x128xf32, #tpu.memory_space<vmem>>, vector<1x16x1x160x128xf32>
      %get3A_155 = vector.shape_cast %get3A_154 : vector<1x16x1x160x128xf32> to vector<16x160x128xf32>
      %max3A_156 = vector.broadcast %add3A_124 : vector<16x1x1xf32> to vector<16x160x128xf32>
      %max3A_157 = arith.maximumf %max3A_156, %get3A_155 : vector<16x160x128xf32>
      %get3A_158 = arith.constant 0 : index
      %get3A_159 = arith.constant 0 : index
      %get3A_160 = arith.constant 7 : index
      %get3A_161 = arith.constant 0 : index
      %get3A_162 = arith.constant 0 : index
      %get3A_163 = vector.load %arg1[%get3A_158, %get3A_159, %get3A_160, %get3A_161, %get3A_162] : memref<1x16x11x160x128xf32, #tpu.memory_space<vmem>>, vector<1x16x1x160x128xf32>
      %get3A_164 = vector.shape_cast %get3A_163 : vector<1x16x1x160x128xf32> to vector<16x160x128xf32>
      %min3A = vector.broadcast %add3A_128 : vector<16x1x1xf32> to vector<16x160x128xf32>
      %min3A_165 = arith.minimumf %min3A, %get3A_164 : vector<16x160x128xf32>
      %get3A_166 = arith.constant 0 : index
      %get3A_167 = arith.constant 0 : index
      %get3A_168 = arith.constant 8 : index
      %get3A_169 = arith.constant 0 : index
      %get3A_170 = arith.constant 0 : index
      %get3A_171 = vector.load %arg1[%get3A_166, %get3A_167, %get3A_168, %get3A_169, %get3A_170] : memref<1x16x11x160x128xf32, #tpu.memory_space<vmem>>, vector<1x16x1x160x128xf32>
      %get3A_172 = vector.shape_cast %get3A_171 : vector<1x16x1x160x128xf32> to vector<16x160x128xf32>
      %min3A_173 = vector.broadcast %add3A_132 : vector<16x1x1xf32> to vector<16x160x128xf32>
      %min3A_174 = arith.minimumf %min3A_173, %get3A_172 : vector<16x160x128xf32>
      %sub3A_175 = arith.subf %min3A_165, %max3A_148 : vector<16x160x128xf32>
      %max3A_176 = arith.constant 0.000000e+00 : f32
      %max3A_177 = vector.broadcast %max3A_176 : f32 to vector<16x160x128xf32>
      %max3A_178 = arith.maximumf %sub3A_175, %max3A_177 : vector<16x160x128xf32>
      %sub3A_179 = arith.subf %min3A_174, %max3A_157 : vector<16x160x128xf32>
      %max3A_180 = arith.constant 0.000000e+00 : f32
      %max3A_181 = vector.broadcast %max3A_180 : f32 to vector<16x160x128xf32>
      %max3A_182 = arith.maximumf %sub3A_179, %max3A_181 : vector<16x160x128xf32>
      %mul3A_183 = arith.mulf %max3A_178, %max3A_182 : vector<16x160x128xf32>
      %get3A_184 = arith.constant 0 : index
      %get3A_185 = arith.constant 0 : index
      %get3A_186 = arith.constant 10 : index
      %get3A_187 = arith.constant 0 : index
      %get3A_188 = arith.constant 0 : index
      %get3A_189 = vector.load %arg1[%get3A_184, %get3A_185, %get3A_186, %get3A_187, %get3A_188] : memref<1x16x11x160x128xf32, #tpu.memory_space<vmem>>, vector<1x16x1x160x128xf32>
      %get3A_190 = vector.shape_cast %get3A_189 : vector<1x16x1x160x128xf32> to vector<16x160x128xf32>
      %add3A_191 = vector.broadcast %mul3A_139 : vector<16x1x1xf32> to vector<16x160x128xf32>
      %add3A_192 = arith.addf %add3A_191, %get3A_190 : vector<16x160x128xf32>
      %sub3A_193 = arith.subf %add3A_192, %mul3A_183 : vector<16x160x128xf32>
      %add3A_194 = arith.constant 1.000000e-07 : f32
      %add3A_195 = vector.broadcast %add3A_194 : f32 to vector<16x160x128xf32>
      %add3A_196 = arith.addf %sub3A_193, %add3A_195 : vector<16x160x128xf32>
      %div3A_197 = arith.divf %mul3A_183, %add3A_196 : vector<16x160x128xf32>
      %gt3A = arith.constant 4.500000e-01 : f32
      %gt3A_198 = vector.broadcast %gt3A : f32 to vector<16x160x128xf32>
      %gt3A_199 = arith.cmpf ogt, %div3A_197, %gt3A_198 : vector<16x160x128xf32>
      %or3A = arith.ori %gt3A_199, %eq3A_38 : vector<16x160x128xi1>
      %broadcast_in_dim3A_200 = vector.broadcast %scan3A : f32 to vector<16x160x128xf32>
      %select_n3A_201 = arith.select %or3A, %broadcast_in_dim3A_200, %get3A_22 : vector<16x160x128xi1>, vector<16x160x128xf32>
      %swap3A_202 = arith.constant 0 : index
      %swap3A_203 = arith.constant 0 : index
      %swap3A_204 = arith.constant 0 : index
      %swap3A_205 = vector.load %arg3[%swap3A_202, %swap3A_203, %swap3A_204] : memref<16x160x128xf32, #tpu.memory_space<vmem>>, vector<16x160x128xf32>
      tpu.vector_store %arg3[%swap3A_202, %swap3A_203, %swap3A_204], %select_n3A_201 {strides = array<i32>} : memref<16x160x128xf32, #tpu.memory_space<vmem>>, vector<16x160x128xf32>,
      %gt3A_206 = vector.broadcast %scan3A : f32 to vector<16x1x1xf32>
      %gt3A_207 = arith.cmpf ogt, %broadcast_in_dim3A_26, %gt3A_206 : vector<16x1x1xf32>
      %jit3A_208 = arith.constant 1.000000e+00 : f32
      %jit3A_209 = arith.constant 0.000000e+00 : f32
      %broadcast_in_dim3A_210 = vector.broadcast %jit3A_208 : f32 to vector<16x1x1xf32>
      %broadcast_in_dim3A_211 = vector.broadcast %jit3A_209 : f32 to vector<16x1x1xf32>
      %select_n3A_212 = arith.select %gt3A_207, %broadcast_in_dim3A_210, %broadcast_in_dim3A_211 : vector<16x1x1xi1>, vector<16x1x1xf32>
      %jit3A_213 = arith.constant 0.000000e+00 : f32
      %broadcast_in_dim3A_214 = vector.broadcast %jit3A_213 : f32 to vector<16x1x1xf32>
      %select_n3A_215 = arith.select %gt3A_207, %broadcast_in_dim3A_26, %broadcast_in_dim3A_214 : vector<16x1x1xi1>, vector<16x1x1xf32>
      %eq3A_216 = arith.constant 0 : i32
      %eq3A_217 = vector.broadcast %eq3A_216 : i32 to vector<1x1x8xi32>
      %eq3A_218 = arith.cmpi eq, %iota3A_12, %eq3A_217 : vector<1x1x8xi32>
      %eq3A_219 = arith.constant 1 : i32
      %eq3A_220 = vector.broadcast %eq3A_219 : i32 to vector<1x1x8xi32>
      %eq3A_221 = arith.cmpi eq, %iota3A_12, %eq3A_220 : vector<1x1x8xi32>
      %eq3A_222 = arith.constant 2 : i32
      %eq3A_223 = vector.broadcast %eq3A_222 : i32 to vector<1x1x8xi32>
      %eq3A_224 = arith.cmpi eq, %iota3A_12, %eq3A_223 : vector<1x1x8xi32>
      %eq3A_225 = arith.constant 3 : i32
      %eq3A_226 = vector.broadcast %eq3A_225 : i32 to vector<1x1x8xi32>
      %eq3A_227 = arith.cmpi eq, %iota3A_12, %eq3A_226 : vector<1x1x8xi32>
      %eq3A_228 = arith.constant 4 : i32
      %eq3A_229 = vector.broadcast %eq3A_228 : i32 to vector<1x1x8xi32>
      %eq3A_230 = arith.cmpi eq, %iota3A_12, %eq3A_229 : vector<1x1x8xi32>
      %eq3A_231 = arith.constant 5 : i32
      %eq3A_232 = vector.broadcast %eq3A_231 : i32 to vector<1x1x8xi32>
      %eq3A_233 = arith.cmpi eq, %iota3A_12, %eq3A_232 : vector<1x1x8xi32>
      %jit3A_234 = arith.constant 0.000000e+00 : f32
      %broadcast_in_dim3A_235 = vector.shape_cast %eq3A_233 : vector<1x1x8xi1> to vector<1x1x8xi1>
      %broadcast_in_dim3A_236 = vector.broadcast %broadcast_in_dim3A_235 : vector<1x1x8xi1> to vector<16x1x8xi1>
      %broadcast_in_dim3A_237 = vector.shape_cast %broadcast_in_dim3A_117 : vector<16x1x1xf32> to vector<16x1x1xf32>
      %broadcast_in_dim3A_238 = vector.broadcast %broadcast_in_dim3A_237 : vector<16x1x1xf32> to vector<16x1x8xf32>
      %broadcast_in_dim3A_239 = vector.broadcast %jit3A_234 : f32 to vector<16x1x8xf32>
      %select_n3A_240 = arith.select %broadcast_in_dim3A_236, %broadcast_in_dim3A_238, %broadcast_in_dim3A_239 : vector<16x1x8xi1>, vector<16x1x8xf32>
      %broadcast_in_dim3A_241 = vector.shape_cast %eq3A_230 : vector<1x1x8xi1> to vector<1x1x8xi1>
      %broadcast_in_dim3A_242 = vector.broadcast %broadcast_in_dim3A_241 : vector<1x1x8xi1> to vector<16x1x8xi1>
      %broadcast_in_dim3A_243 = vector.shape_cast %select_n3A_215 : vector<16x1x1xf32> to vector<16x1x1xf32>
      %broadcast_in_dim3A_244 = vector.broadcast %broadcast_in_dim3A_243 : vector<16x1x1xf32> to vector<16x1x8xf32>
      %select_n3A_245 = arith.select %broadcast_in_dim3A_242, %broadcast_in_dim3A_244, %select_n3A_240 : vector<16x1x8xi1>, vector<16x1x8xf32>
      %broadcast_in_dim3A_246 = vector.shape_cast %eq3A_227 : vector<1x1x8xi1> to vector<1x1x8xi1>
      %broadcast_in_dim3A_247 = vector.broadcast %broadcast_in_dim3A_246 : vector<1x1x8xi1> to vector<16x1x8xi1>
      %broadcast_in_dim3A_248 = vector.shape_cast %broadcast_in_dim3A_101 : vector<16x1x1xf32> to vector<16x1x1xf32>
      %broadcast_in_dim3A_249 = vector.broadcast %broadcast_in_dim3A_248 : vector<16x1x1xf32> to vector<16x1x8xf32>
      %select_n3A_250 = arith.select %broadcast_in_dim3A_247, %broadcast_in_dim3A_249, %select_n3A_245 : vector<16x1x8xi1>, vector<16x1x8xf32>
      %broadcast_in_dim3A_251 = vector.shape_cast %eq3A_224 : vector<1x1x8xi1> to vector<1x1x8xi1>
      %broadcast_in_dim3A_252 = vector.broadcast %broadcast_in_dim3A_251 : vector<1x1x8xi1> to vector<16x1x8xi1>
      %broadcast_in_dim3A_253 = vector.shape_cast %broadcast_in_dim3A_85 : vector<16x1x1xf32> to vector<16x1x1xf32>
      %broadcast_in_dim3A_254 = vector.broadcast %broadcast_in_dim3A_253 : vector<16x1x1xf32> to vector<16x1x8xf32>
      %select_n3A_255 = arith.select %broadcast_in_dim3A_252, %broadcast_in_dim3A_254, %select_n3A_250 : vector<16x1x8xi1>, vector<16x1x8xf32>
      %broadcast_in_dim3A_256 = vector.shape_cast %eq3A_221 : vector<1x1x8xi1> to vector<1x1x8xi1>
      %broadcast_in_dim3A_257 = vector.broadcast %broadcast_in_dim3A_256 : vector<1x1x8xi1> to vector<16x1x8xi1>
      %broadcast_in_dim3A_258 = vector.shape_cast %broadcast_in_dim3A_69 : vector<16x1x1xf32> to vector<16x1x1xf32>
      %broadcast_in_dim3A_259 = vector.broadcast %broadcast_in_dim3A_258 : vector<16x1x1xf32> to vector<16x1x8xf32>
      %select_n3A_260 = arith.select %broadcast_in_dim3A_257, %broadcast_in_dim3A_259, %select_n3A_255 : vector<16x1x8xi1>, vector<16x1x8xf32>
      %broadcast_in_dim3A_261 = vector.shape_cast %eq3A_218 : vector<1x1x8xi1> to vector<1x1x8xi1>
      %broadcast_in_dim3A_262 = vector.broadcast %broadcast_in_dim3A_261 : vector<1x1x8xi1> to vector<16x1x8xi1>
      %broadcast_in_dim3A_263 = vector.shape_cast %broadcast_in_dim3A_53 : vector<16x1x1xf32> to vector<16x1x1xf32>
      %broadcast_in_dim3A_264 = vector.broadcast %broadcast_in_dim3A_263 : vector<16x1x1xf32> to vector<16x1x8xf32>
      %select_n3A_265 = arith.select %broadcast_in_dim3A_262, %broadcast_in_dim3A_264, %select_n3A_260 : vector<16x1x8xi1>, vector<16x1x8xf32>
      %mul3A_266 = vector.broadcast %select_n3A_212 : vector<16x1x1xf32> to vector<16x1x8xf32>
      %mul3A_267 = arith.mulf %select_n3A_265, %mul3A_266 : vector<16x1x8xf32>
      %swap3A_268 = arith.constant 0 : index
      %swap3A_269 = arith.constant 0 : index
      %swap3A_270 = arith.index_cast %scan3A_18 : i32 to index
      %swap3A_271 = arith.constant 0 : index
      %swap3A_272 = vector.load %arg2[%swap3A_268, %swap3A_269, %swap3A_270, %swap3A_271] : memref<1x16x304x8xf32, #tpu.memory_space<vmem>>, vector<1x16x1x8xf32>
      %swap3A_273 = vector.shape_cast %swap3A_272 : vector<1x16x1x8xf32> to vector<16x1x8xf32>
      %swap3A_274 = vector.shape_cast %mul3A_267 : vector<16x1x8xf32> to vector<1x16x1x8xf32>
      tpu.vector_store %arg2[%swap3A_268, %swap3A_269, %swap3A_270, %swap3A_271], %swap3A_274 {strides = array<i32>} : memref<1x16x304x8xf32, #tpu.memory_space<vmem>>, vector<1x16x1x8xf32>,
    }
    %scan3A_17 = arith.constant 300 : i32
    return
  }
  func.func @transform_0(%arg0: i32) -> (i32, i32, i32, i32, i32) {
    %c0_i32 = arith.constant 0 : i32
    %c0_i32_0 = arith.constant 0 : i32
    %c0_i32_1 = arith.constant 0 : i32
    %c0_i32_2 = arith.constant 0 : i32
    %c0_i32_3 = arith.constant 0 : i32
    return %arg0, %c0_i32, %c0_i32_0, %c0_i32_1, %c0_i32_2 : i32, i32, i32, i32, i32
  }
  func.func @transform_1(%arg0: i32) -> (i32, i32, i32, i32) {
    %c0_i32 = arith.constant 0 : i32
    %c0_i32_0 = arith.constant 0 : i32
    %c0_i32_1 = arith.constant 0 : i32
    %c0_i32_2 = arith.constant 0 : i32
    return %arg0, %c0_i32, %c0_i32_0, %c0_i32_1 : i32, i32, i32, i32
  }
}

module attributes {stable_mosaic.version = 14 : i64} {
  func.func @_prep_body(%arg0: i32, %arg1: memref<1x84x160x128xf32, #tpu.memory_space<vmem>>, %arg2: memref<1x11x160x128xf32, #tpu.memory_space<vmem>>) attributes {dimension_semantics = [#tpu.dimension_semantics<arbitrary>], iteration_bounds = array<i64: 16>, scalar_prefetch = 0 : i64, scratch_operands = 0 : i64, tpu.core_type = #tpu.core_type<tc>, window_params = [{transform_indices = @transform_0, window_bounds = array<i64: 1, 84, 160, 128>}, {transform_indices = @transform_1, window_bounds = array<i64: 1, 11, 160, 128>}]} {
    %get3A = arith.constant 0 : index
    %get3A_0 = arith.constant 4 : index
    %get3A_1 = arith.constant 0 : index
    %get3A_2 = arith.constant 0 : index
    %get3A_3 = vector.load %arg1[%get3A, %get3A_0, %get3A_1, %get3A_2] : memref<1x84x160x128xf32, #tpu.memory_space<vmem>>, vector<1x1x160x128xf32>
    %get3A_4 = vector.shape_cast %get3A_3 : vector<1x1x160x128xf32> to vector<160x128xf32>
    %get3A_5 = arith.constant 0 : index
    %get3A_6 = arith.constant 5 : index
    %get3A_7 = arith.constant 0 : index
    %get3A_8 = arith.constant 0 : index
    %get3A_9 = vector.load %arg1[%get3A_5, %get3A_6, %get3A_7, %get3A_8] : memref<1x84x160x128xf32, #tpu.memory_space<vmem>>, vector<1x1x160x128xf32>
    %get3A_10 = vector.shape_cast %get3A_9 : vector<1x1x160x128xf32> to vector<160x128xf32>
    %max3A = arith.maximumf %get3A_4, %get3A_10 : vector<160x128xf32>
    %get3A_11 = arith.constant 0 : index
    %get3A_12 = arith.constant 6 : index
    %get3A_13 = arith.constant 0 : index
    %get3A_14 = arith.constant 0 : index
    %get3A_15 = vector.load %arg1[%get3A_11, %get3A_12, %get3A_13, %get3A_14] : memref<1x84x160x128xf32, #tpu.memory_space<vmem>>, vector<1x1x160x128xf32>
    %get3A_16 = vector.shape_cast %get3A_15 : vector<1x1x160x128xf32> to vector<160x128xf32>
    %max3A_17 = arith.maximumf %max3A, %get3A_16 : vector<160x128xf32>
    %get3A_18 = arith.constant 0 : index
    %get3A_19 = arith.constant 7 : index
    %get3A_20 = arith.constant 0 : index
    %get3A_21 = arith.constant 0 : index
    %get3A_22 = vector.load %arg1[%get3A_18, %get3A_19, %get3A_20, %get3A_21] : memref<1x84x160x128xf32, #tpu.memory_space<vmem>>, vector<1x1x160x128xf32>
    %get3A_23 = vector.shape_cast %get3A_22 : vector<1x1x160x128xf32> to vector<160x128xf32>
    %max3A_24 = arith.maximumf %max3A_17, %get3A_23 : vector<160x128xf32>
    %get3A_25 = arith.constant 0 : index
    %get3A_26 = arith.constant 8 : index
    %get3A_27 = arith.constant 0 : index
    %get3A_28 = arith.constant 0 : index
    %get3A_29 = vector.load %arg1[%get3A_25, %get3A_26, %get3A_27, %get3A_28] : memref<1x84x160x128xf32, #tpu.memory_space<vmem>>, vector<1x1x160x128xf32>
    %get3A_30 = vector.shape_cast %get3A_29 : vector<1x1x160x128xf32> to vector<160x128xf32>
    %max3A_31 = arith.maximumf %max3A_24, %get3A_30 : vector<160x128xf32>
    %get3A_32 = arith.constant 0 : index
    %get3A_33 = arith.constant 9 : index
    %get3A_34 = arith.constant 0 : index
    %get3A_35 = arith.constant 0 : index
    %get3A_36 = vector.load %arg1[%get3A_32, %get3A_33, %get3A_34, %get3A_35] : memref<1x84x160x128xf32, #tpu.memory_space<vmem>>, vector<1x1x160x128xf32>
    %get3A_37 = vector.shape_cast %get3A_36 : vector<1x1x160x128xf32> to vector<160x128xf32>
    %max3A_38 = arith.maximumf %max3A_31, %get3A_37 : vector<160x128xf32>
    %get3A_39 = arith.constant 0 : index
    %get3A_40 = arith.constant 10 : index
    %get3A_41 = arith.constant 0 : index
    %get3A_42 = arith.constant 0 : index
    %get3A_43 = vector.load %arg1[%get3A_39, %get3A_40, %get3A_41, %get3A_42] : memref<1x84x160x128xf32, #tpu.memory_space<vmem>>, vector<1x1x160x128xf32>
    %get3A_44 = vector.shape_cast %get3A_43 : vector<1x1x160x128xf32> to vector<160x128xf32>
    %max3A_45 = arith.maximumf %max3A_38, %get3A_44 : vector<160x128xf32>
    %get3A_46 = arith.constant 0 : index
    %get3A_47 = arith.constant 11 : index
    %get3A_48 = arith.constant 0 : index
    %get3A_49 = arith.constant 0 : index
    %get3A_50 = vector.load %arg1[%get3A_46, %get3A_47, %get3A_48, %get3A_49] : memref<1x84x160x128xf32, #tpu.memory_space<vmem>>, vector<1x1x160x128xf32>
    %get3A_51 = vector.shape_cast %get3A_50 : vector<1x1x160x128xf32> to vector<160x128xf32>
    %max3A_52 = arith.maximumf %max3A_45, %get3A_51 : vector<160x128xf32>
    %get3A_53 = arith.constant 0 : index
    %get3A_54 = arith.constant 12 : index
    %get3A_55 = arith.constant 0 : index
    %get3A_56 = arith.constant 0 : index
    %get3A_57 = vector.load %arg1[%get3A_53, %get3A_54, %get3A_55, %get3A_56] : memref<1x84x160x128xf32, #tpu.memory_space<vmem>>, vector<1x1x160x128xf32>
    %get3A_58 = vector.shape_cast %get3A_57 : vector<1x1x160x128xf32> to vector<160x128xf32>
    %max3A_59 = arith.maximumf %max3A_52, %get3A_58 : vector<160x128xf32>
    %get3A_60 = arith.constant 0 : index
    %get3A_61 = arith.constant 13 : index
    %get3A_62 = arith.constant 0 : index
    %get3A_63 = arith.constant 0 : index
    %get3A_64 = vector.load %arg1[%get3A_60, %get3A_61, %get3A_62, %get3A_63] : memref<1x84x160x128xf32, #tpu.memory_space<vmem>>, vector<1x1x160x128xf32>
    %get3A_65 = vector.shape_cast %get3A_64 : vector<1x1x160x128xf32> to vector<160x128xf32>
    %max3A_66 = arith.maximumf %max3A_59, %get3A_65 : vector<160x128xf32>
    %get3A_67 = arith.constant 0 : index
    %get3A_68 = arith.constant 14 : index
    %get3A_69 = arith.constant 0 : index
    %get3A_70 = arith.constant 0 : index
    %get3A_71 = vector.load %arg1[%get3A_67, %get3A_68, %get3A_69, %get3A_70] : memref<1x84x160x128xf32, #tpu.memory_space<vmem>>, vector<1x1x160x128xf32>
    %get3A_72 = vector.shape_cast %get3A_71 : vector<1x1x160x128xf32> to vector<160x128xf32>
    %max3A_73 = arith.maximumf %max3A_66, %get3A_72 : vector<160x128xf32>
    %get3A_74 = arith.constant 0 : index
    %get3A_75 = arith.constant 15 : index
    %get3A_76 = arith.constant 0 : index
    %get3A_77 = arith.constant 0 : index
    %get3A_78 = vector.load %arg1[%get3A_74, %get3A_75, %get3A_76, %get3A_77] : memref<1x84x160x128xf32, #tpu.memory_space<vmem>>, vector<1x1x160x128xf32>
    %get3A_79 = vector.shape_cast %get3A_78 : vector<1x1x160x128xf32> to vector<160x128xf32>
    %max3A_80 = arith.maximumf %max3A_73, %get3A_79 : vector<160x128xf32>
    %get3A_81 = arith.constant 0 : index
    %get3A_82 = arith.constant 16 : index
    %get3A_83 = arith.constant 0 : index
    %get3A_84 = arith.constant 0 : index
    %get3A_85 = vector.load %arg1[%get3A_81, %get3A_82, %get3A_83, %get3A_84] : memref<1x84x160x128xf32, #tpu.memory_space<vmem>>, vector<1x1x160x128xf32>
    %get3A_86 = vector.shape_cast %get3A_85 : vector<1x1x160x128xf32> to vector<160x128xf32>
    %max3A_87 = arith.maximumf %max3A_80, %get3A_86 : vector<160x128xf32>
    %get3A_88 = arith.constant 0 : index
    %get3A_89 = arith.constant 17 : index
    %get3A_90 = arith.constant 0 : index
    %get3A_91 = arith.constant 0 : index
    %get3A_92 = vector.load %arg1[%get3A_88, %get3A_89, %get3A_90, %get3A_91] : memref<1x84x160x128xf32, #tpu.memory_space<vmem>>, vector<1x1x160x128xf32>
    %get3A_93 = vector.shape_cast %get3A_92 : vector<1x1x160x128xf32> to vector<160x128xf32>
    %max3A_94 = arith.maximumf %max3A_87, %get3A_93 : vector<160x128xf32>
    %get3A_95 = arith.constant 0 : index
    %get3A_96 = arith.constant 18 : index
    %get3A_97 = arith.constant 0 : index
    %get3A_98 = arith.constant 0 : index
    %get3A_99 = vector.load %arg1[%get3A_95, %get3A_96, %get3A_97, %get3A_98] : memref<1x84x160x128xf32, #tpu.memory_space<vmem>>, vector<1x1x160x128xf32>
    %get3A_100 = vector.shape_cast %get3A_99 : vector<1x1x160x128xf32> to vector<160x128xf32>
    %max3A_101 = arith.maximumf %max3A_94, %get3A_100 : vector<160x128xf32>
    %get3A_102 = arith.constant 0 : index
    %get3A_103 = arith.constant 19 : index
    %get3A_104 = arith.constant 0 : index
    %get3A_105 = arith.constant 0 : index
    %get3A_106 = vector.load %arg1[%get3A_102, %get3A_103, %get3A_104, %get3A_105] : memref<1x84x160x128xf32, #tpu.memory_space<vmem>>, vector<1x1x160x128xf32>
    %get3A_107 = vector.shape_cast %get3A_106 : vector<1x1x160x128xf32> to vector<160x128xf32>
    %max3A_108 = arith.maximumf %max3A_101, %get3A_107 : vector<160x128xf32>
    %get3A_109 = arith.constant 0 : index
    %get3A_110 = arith.constant 20 : index
    %get3A_111 = arith.constant 0 : index
    %get3A_112 = arith.constant 0 : index
    %get3A_113 = vector.load %arg1[%get3A_109, %get3A_110, %get3A_111, %get3A_112] : memref<1x84x160x128xf32, #tpu.memory_space<vmem>>, vector<1x1x160x128xf32>
    %get3A_114 = vector.shape_cast %get3A_113 : vector<1x1x160x128xf32> to vector<160x128xf32>
    %max3A_115 = arith.maximumf %max3A_108, %get3A_114 : vector<160x128xf32>
    %get3A_116 = arith.constant 0 : index
    %get3A_117 = arith.constant 21 : index
    %get3A_118 = arith.constant 0 : index
    %get3A_119 = arith.constant 0 : index
    %get3A_120 = vector.load %arg1[%get3A_116, %get3A_117, %get3A_118, %get3A_119] : memref<1x84x160x128xf32, #tpu.memory_space<vmem>>, vector<1x1x160x128xf32>
    %get3A_121 = vector.shape_cast %get3A_120 : vector<1x1x160x128xf32> to vector<160x128xf32>
    %max3A_122 = arith.maximumf %max3A_115, %get3A_121 : vector<160x128xf32>
    %get3A_123 = arith.constant 0 : index
    %get3A_124 = arith.constant 22 : index
    %get3A_125 = arith.constant 0 : index
    %get3A_126 = arith.constant 0 : index
    %get3A_127 = vector.load %arg1[%get3A_123, %get3A_124, %get3A_125, %get3A_126] : memref<1x84x160x128xf32, #tpu.memory_space<vmem>>, vector<1x1x160x128xf32>
    %get3A_128 = vector.shape_cast %get3A_127 : vector<1x1x160x128xf32> to vector<160x128xf32>
    %max3A_129 = arith.maximumf %max3A_122, %get3A_128 : vector<160x128xf32>
    %get3A_130 = arith.constant 0 : index
    %get3A_131 = arith.constant 23 : index
    %get3A_132 = arith.constant 0 : index
    %get3A_133 = arith.constant 0 : index
    %get3A_134 = vector.load %arg1[%get3A_130, %get3A_131, %get3A_132, %get3A_133] : memref<1x84x160x128xf32, #tpu.memory_space<vmem>>, vector<1x1x160x128xf32>
    %get3A_135 = vector.shape_cast %get3A_134 : vector<1x1x160x128xf32> to vector<160x128xf32>
    %max3A_136 = arith.maximumf %max3A_129, %get3A_135 : vector<160x128xf32>
    %get3A_137 = arith.constant 0 : index
    %get3A_138 = arith.constant 24 : index
    %get3A_139 = arith.constant 0 : index
    %get3A_140 = arith.constant 0 : index
    %get3A_141 = vector.load %arg1[%get3A_137, %get3A_138, %get3A_139, %get3A_140] : memref<1x84x160x128xf32, #tpu.memory_space<vmem>>, vector<1x1x160x128xf32>
    %get3A_142 = vector.shape_cast %get3A_141 : vector<1x1x160x128xf32> to vector<160x128xf32>
    %max3A_143 = arith.maximumf %max3A_136, %get3A_142 : vector<160x128xf32>
    %get3A_144 = arith.constant 0 : index
    %get3A_145 = arith.constant 25 : index
    %get3A_146 = arith.constant 0 : index
    %get3A_147 = arith.constant 0 : index
    %get3A_148 = vector.load %arg1[%get3A_144, %get3A_145, %get3A_146, %get3A_147] : memref<1x84x160x128xf32, #tpu.memory_space<vmem>>, vector<1x1x160x128xf32>
    %get3A_149 = vector.shape_cast %get3A_148 : vector<1x1x160x128xf32> to vector<160x128xf32>
    %max3A_150 = arith.maximumf %max3A_143, %get3A_149 : vector<160x128xf32>
    %get3A_151 = arith.constant 0 : index
    %get3A_152 = arith.constant 26 : index
    %get3A_153 = arith.constant 0 : index
    %get3A_154 = arith.constant 0 : index
    %get3A_155 = vector.load %arg1[%get3A_151, %get3A_152, %get3A_153, %get3A_154] : memref<1x84x160x128xf32, #tpu.memory_space<vmem>>, vector<1x1x160x128xf32>
    %get3A_156 = vector.shape_cast %get3A_155 : vector<1x1x160x128xf32> to vector<160x128xf32>
    %max3A_157 = arith.maximumf %max3A_150, %get3A_156 : vector<160x128xf32>
    %get3A_158 = arith.constant 0 : index
    %get3A_159 = arith.constant 27 : index
    %get3A_160 = arith.constant 0 : index
    %get3A_161 = arith.constant 0 : index
    %get3A_162 = vector.load %arg1[%get3A_158, %get3A_159, %get3A_160, %get3A_161] : memref<1x84x160x128xf32, #tpu.memory_space<vmem>>, vector<1x1x160x128xf32>
    %get3A_163 = vector.shape_cast %get3A_162 : vector<1x1x160x128xf32> to vector<160x128xf32>
    %max3A_164 = arith.maximumf %max3A_157, %get3A_163 : vector<160x128xf32>
    %get3A_165 = arith.constant 0 : index
    %get3A_166 = arith.constant 28 : index
    %get3A_167 = arith.constant 0 : index
    %get3A_168 = arith.constant 0 : index
    %get3A_169 = vector.load %arg1[%get3A_165, %get3A_166, %get3A_167, %get3A_168] : memref<1x84x160x128xf32, #tpu.memory_space<vmem>>, vector<1x1x160x128xf32>
    %get3A_170 = vector.shape_cast %get3A_169 : vector<1x1x160x128xf32> to vector<160x128xf32>
    %max3A_171 = arith.maximumf %max3A_164, %get3A_170 : vector<160x128xf32>
    %get3A_172 = arith.constant 0 : index
    %get3A_173 = arith.constant 29 : index
    %get3A_174 = arith.constant 0 : index
    %get3A_175 = arith.constant 0 : index
    %get3A_176 = vector.load %arg1[%get3A_172, %get3A_173, %get3A_174, %get3A_175] : memref<1x84x160x128xf32, #tpu.memory_space<vmem>>, vector<1x1x160x128xf32>
    %get3A_177 = vector.shape_cast %get3A_176 : vector<1x1x160x128xf32> to vector<160x128xf32>
    %max3A_178 = arith.maximumf %max3A_171, %get3A_177 : vector<160x128xf32>
    %get3A_179 = arith.constant 0 : index
    %get3A_180 = arith.constant 30 : index
    %get3A_181 = arith.constant 0 : index
    %get3A_182 = arith.constant 0 : index
    %get3A_183 = vector.load %arg1[%get3A_179, %get3A_180, %get3A_181, %get3A_182] : memref<1x84x160x128xf32, #tpu.memory_space<vmem>>, vector<1x1x160x128xf32>
    %get3A_184 = vector.shape_cast %get3A_183 : vector<1x1x160x128xf32> to vector<160x128xf32>
    %max3A_185 = arith.maximumf %max3A_178, %get3A_184 : vector<160x128xf32>
    %get3A_186 = arith.constant 0 : index
    %get3A_187 = arith.constant 31 : index
    %get3A_188 = arith.constant 0 : index
    %get3A_189 = arith.constant 0 : index
    %get3A_190 = vector.load %arg1[%get3A_186, %get3A_187, %get3A_188, %get3A_189] : memref<1x84x160x128xf32, #tpu.memory_space<vmem>>, vector<1x1x160x128xf32>
    %get3A_191 = vector.shape_cast %get3A_190 : vector<1x1x160x128xf32> to vector<160x128xf32>
    %max3A_192 = arith.maximumf %max3A_185, %get3A_191 : vector<160x128xf32>
    %get3A_193 = arith.constant 0 : index
    %get3A_194 = arith.constant 32 : index
    %get3A_195 = arith.constant 0 : index
    %get3A_196 = arith.constant 0 : index
    %get3A_197 = vector.load %arg1[%get3A_193, %get3A_194, %get3A_195, %get3A_196] : memref<1x84x160x128xf32, #tpu.memory_space<vmem>>, vector<1x1x160x128xf32>
    %get3A_198 = vector.shape_cast %get3A_197 : vector<1x1x160x128xf32> to vector<160x128xf32>
    %max3A_199 = arith.maximumf %max3A_192, %get3A_198 : vector<160x128xf32>
    %get3A_200 = arith.constant 0 : index
    %get3A_201 = arith.constant 33 : index
    %get3A_202 = arith.constant 0 : index
    %get3A_203 = arith.constant 0 : index
    %get3A_204 = vector.load %arg1[%get3A_200, %get3A_201, %get3A_202, %get3A_203] : memref<1x84x160x128xf32, #tpu.memory_space<vmem>>, vector<1x1x160x128xf32>
    %get3A_205 = vector.shape_cast %get3A_204 : vector<1x1x160x128xf32> to vector<160x128xf32>
    %max3A_206 = arith.maximumf %max3A_199, %get3A_205 : vector<160x128xf32>
    %get3A_207 = arith.constant 0 : index
    %get3A_208 = arith.constant 34 : index
    %get3A_209 = arith.constant 0 : index
    %get3A_210 = arith.constant 0 : index
    %get3A_211 = vector.load %arg1[%get3A_207, %get3A_208, %get3A_209, %get3A_210] : memref<1x84x160x128xf32, #tpu.memory_space<vmem>>, vector<1x1x160x128xf32>
    %get3A_212 = vector.shape_cast %get3A_211 : vector<1x1x160x128xf32> to vector<160x128xf32>
    %max3A_213 = arith.maximumf %max3A_206, %get3A_212 : vector<160x128xf32>
    %get3A_214 = arith.constant 0 : index
    %get3A_215 = arith.constant 35 : index
    %get3A_216 = arith.constant 0 : index
    %get3A_217 = arith.constant 0 : index
    %get3A_218 = vector.load %arg1[%get3A_214, %get3A_215, %get3A_216, %get3A_217] : memref<1x84x160x128xf32, #tpu.memory_space<vmem>>, vector<1x1x160x128xf32>
    %get3A_219 = vector.shape_cast %get3A_218 : vector<1x1x160x128xf32> to vector<160x128xf32>
    %max3A_220 = arith.maximumf %max3A_213, %get3A_219 : vector<160x128xf32>
    %get3A_221 = arith.constant 0 : index
    %get3A_222 = arith.constant 36 : index
    %get3A_223 = arith.constant 0 : index
    %get3A_224 = arith.constant 0 : index
    %get3A_225 = vector.load %arg1[%get3A_221, %get3A_222, %get3A_223, %get3A_224] : memref<1x84x160x128xf32, #tpu.memory_space<vmem>>, vector<1x1x160x128xf32>
    %get3A_226 = vector.shape_cast %get3A_225 : vector<1x1x160x128xf32> to vector<160x128xf32>
    %max3A_227 = arith.maximumf %max3A_220, %get3A_226 : vector<160x128xf32>
    %get3A_228 = arith.constant 0 : index
    %get3A_229 = arith.constant 37 : index
    %get3A_230 = arith.constant 0 : index
    %get3A_231 = arith.constant 0 : index
    %get3A_232 = vector.load %arg1[%get3A_228, %get3A_229, %get3A_230, %get3A_231] : memref<1x84x160x128xf32, #tpu.memory_space<vmem>>, vector<1x1x160x128xf32>
    %get3A_233 = vector.shape_cast %get3A_232 : vector<1x1x160x128xf32> to vector<160x128xf32>
    %max3A_234 = arith.maximumf %max3A_227, %get3A_233 : vector<160x128xf32>
    %get3A_235 = arith.constant 0 : index
    %get3A_236 = arith.constant 38 : index
    %get3A_237 = arith.constant 0 : index
    %get3A_238 = arith.constant 0 : index
    %get3A_239 = vector.load %arg1[%get3A_235, %get3A_236, %get3A_237, %get3A_238] : memref<1x84x160x128xf32, #tpu.memory_space<vmem>>, vector<1x1x160x128xf32>
    %get3A_240 = vector.shape_cast %get3A_239 : vector<1x1x160x128xf32> to vector<160x128xf32>
    %max3A_241 = arith.maximumf %max3A_234, %get3A_240 : vector<160x128xf32>
    %get3A_242 = arith.constant 0 : index
    %get3A_243 = arith.constant 39 : index
    %get3A_244 = arith.constant 0 : index
    %get3A_245 = arith.constant 0 : index
    %get3A_246 = vector.load %arg1[%get3A_242, %get3A_243, %get3A_244, %get3A_245] : memref<1x84x160x128xf32, #tpu.memory_space<vmem>>, vector<1x1x160x128xf32>
    %get3A_247 = vector.shape_cast %get3A_246 : vector<1x1x160x128xf32> to vector<160x128xf32>
    %max3A_248 = arith.maximumf %max3A_241, %get3A_247 : vector<160x128xf32>
    %get3A_249 = arith.constant 0 : index
    %get3A_250 = arith.constant 40 : index
    %get3A_251 = arith.constant 0 : index
    %get3A_252 = arith.constant 0 : index
    %get3A_253 = vector.load %arg1[%get3A_249, %get3A_250, %get3A_251, %get3A_252] : memref<1x84x160x128xf32, #tpu.memory_space<vmem>>, vector<1x1x160x128xf32>
    %get3A_254 = vector.shape_cast %get3A_253 : vector<1x1x160x128xf32> to vector<160x128xf32>
    %max3A_255 = arith.maximumf %max3A_248, %get3A_254 : vector<160x128xf32>
    %get3A_256 = arith.constant 0 : index
    %get3A_257 = arith.constant 41 : index
    %get3A_258 = arith.constant 0 : index
    %get3A_259 = arith.constant 0 : index
    %get3A_260 = vector.load %arg1[%get3A_256, %get3A_257, %get3A_258, %get3A_259] : memref<1x84x160x128xf32, #tpu.memory_space<vmem>>, vector<1x1x160x128xf32>
    %get3A_261 = vector.shape_cast %get3A_260 : vector<1x1x160x128xf32> to vector<160x128xf32>
    %max3A_262 = arith.maximumf %max3A_255, %get3A_261 : vector<160x128xf32>
    %get3A_263 = arith.constant 0 : index
    %get3A_264 = arith.constant 42 : index
    %get3A_265 = arith.constant 0 : index
    %get3A_266 = arith.constant 0 : index
    %get3A_267 = vector.load %arg1[%get3A_263, %get3A_264, %get3A_265, %get3A_266] : memref<1x84x160x128xf32, #tpu.memory_space<vmem>>, vector<1x1x160x128xf32>
    %get3A_268 = vector.shape_cast %get3A_267 : vector<1x1x160x128xf32> to vector<160x128xf32>
    %max3A_269 = arith.maximumf %max3A_262, %get3A_268 : vector<160x128xf32>
    %get3A_270 = arith.constant 0 : index
    %get3A_271 = arith.constant 43 : index
    %get3A_272 = arith.constant 0 : index
    %get3A_273 = arith.constant 0 : index
    %get3A_274 = vector.load %arg1[%get3A_270, %get3A_271, %get3A_272, %get3A_273] : memref<1x84x160x128xf32, #tpu.memory_space<vmem>>, vector<1x1x160x128xf32>
    %get3A_275 = vector.shape_cast %get3A_274 : vector<1x1x160x128xf32> to vector<160x128xf32>
    %max3A_276 = arith.maximumf %max3A_269, %get3A_275 : vector<160x128xf32>
    %get3A_277 = arith.constant 0 : index
    %get3A_278 = arith.constant 44 : index
    %get3A_279 = arith.constant 0 : index
    %get3A_280 = arith.constant 0 : index
    %get3A_281 = vector.load %arg1[%get3A_277, %get3A_278, %get3A_279, %get3A_280] : memref<1x84x160x128xf32, #tpu.memory_space<vmem>>, vector<1x1x160x128xf32>
    %get3A_282 = vector.shape_cast %get3A_281 : vector<1x1x160x128xf32> to vector<160x128xf32>
    %max3A_283 = arith.maximumf %max3A_276, %get3A_282 : vector<160x128xf32>
    %get3A_284 = arith.constant 0 : index
    %get3A_285 = arith.constant 45 : index
    %get3A_286 = arith.constant 0 : index
    %get3A_287 = arith.constant 0 : index
    %get3A_288 = vector.load %arg1[%get3A_284, %get3A_285, %get3A_286, %get3A_287] : memref<1x84x160x128xf32, #tpu.memory_space<vmem>>, vector<1x1x160x128xf32>
    %get3A_289 = vector.shape_cast %get3A_288 : vector<1x1x160x128xf32> to vector<160x128xf32>
    %max3A_290 = arith.maximumf %max3A_283, %get3A_289 : vector<160x128xf32>
    %get3A_291 = arith.constant 0 : index
    %get3A_292 = arith.constant 46 : index
    %get3A_293 = arith.constant 0 : index
    %get3A_294 = arith.constant 0 : index
    %get3A_295 = vector.load %arg1[%get3A_291, %get3A_292, %get3A_293, %get3A_294] : memref<1x84x160x128xf32, #tpu.memory_space<vmem>>, vector<1x1x160x128xf32>
    %get3A_296 = vector.shape_cast %get3A_295 : vector<1x1x160x128xf32> to vector<160x128xf32>
    %max3A_297 = arith.maximumf %max3A_290, %get3A_296 : vector<160x128xf32>
    %get3A_298 = arith.constant 0 : index
    %get3A_299 = arith.constant 47 : index
    %get3A_300 = arith.constant 0 : index
    %get3A_301 = arith.constant 0 : index
    %get3A_302 = vector.load %arg1[%get3A_298, %get3A_299, %get3A_300, %get3A_301] : memref<1x84x160x128xf32, #tpu.memory_space<vmem>>, vector<1x1x160x128xf32>
    %get3A_303 = vector.shape_cast %get3A_302 : vector<1x1x160x128xf32> to vector<160x128xf32>
    %max3A_304 = arith.maximumf %max3A_297, %get3A_303 : vector<160x128xf32>
    %get3A_305 = arith.constant 0 : index
    %get3A_306 = arith.constant 48 : index
    %get3A_307 = arith.constant 0 : index
    %get3A_308 = arith.constant 0 : index
    %get3A_309 = vector.load %arg1[%get3A_305, %get3A_306, %get3A_307, %get3A_308] : memref<1x84x160x128xf32, #tpu.memory_space<vmem>>, vector<1x1x160x128xf32>
    %get3A_310 = vector.shape_cast %get3A_309 : vector<1x1x160x128xf32> to vector<160x128xf32>
    %max3A_311 = arith.maximumf %max3A_304, %get3A_310 : vector<160x128xf32>
    %get3A_312 = arith.constant 0 : index
    %get3A_313 = arith.constant 49 : index
    %get3A_314 = arith.constant 0 : index
    %get3A_315 = arith.constant 0 : index
    %get3A_316 = vector.load %arg1[%get3A_312, %get3A_313, %get3A_314, %get3A_315] : memref<1x84x160x128xf32, #tpu.memory_space<vmem>>, vector<1x1x160x128xf32>
    %get3A_317 = vector.shape_cast %get3A_316 : vector<1x1x160x128xf32> to vector<160x128xf32>
    %max3A_318 = arith.maximumf %max3A_311, %get3A_317 : vector<160x128xf32>
    %get3A_319 = arith.constant 0 : index
    %get3A_320 = arith.constant 50 : index
    %get3A_321 = arith.constant 0 : index
    %get3A_322 = arith.constant 0 : index
    %get3A_323 = vector.load %arg1[%get3A_319, %get3A_320, %get3A_321, %get3A_322] : memref<1x84x160x128xf32, #tpu.memory_space<vmem>>, vector<1x1x160x128xf32>
    %get3A_324 = vector.shape_cast %get3A_323 : vector<1x1x160x128xf32> to vector<160x128xf32>
    %max3A_325 = arith.maximumf %max3A_318, %get3A_324 : vector<160x128xf32>
    %get3A_326 = arith.constant 0 : index
    %get3A_327 = arith.constant 51 : index
    %get3A_328 = arith.constant 0 : index
    %get3A_329 = arith.constant 0 : index
    %get3A_330 = vector.load %arg1[%get3A_326, %get3A_327, %get3A_328, %get3A_329] : memref<1x84x160x128xf32, #tpu.memory_space<vmem>>, vector<1x1x160x128xf32>
    %get3A_331 = vector.shape_cast %get3A_330 : vector<1x1x160x128xf32> to vector<160x128xf32>
    %max3A_332 = arith.maximumf %max3A_325, %get3A_331 : vector<160x128xf32>
    %get3A_333 = arith.constant 0 : index
    %get3A_334 = arith.constant 52 : index
    %get3A_335 = arith.constant 0 : index
    %get3A_336 = arith.constant 0 : index
    %get3A_337 = vector.load %arg1[%get3A_333, %get3A_334, %get3A_335, %get3A_336] : memref<1x84x160x128xf32, #tpu.memory_space<vmem>>, vector<1x1x160x128xf32>
    %get3A_338 = vector.shape_cast %get3A_337 : vector<1x1x160x128xf32> to vector<160x128xf32>
    %max3A_339 = arith.maximumf %max3A_332, %get3A_338 : vector<160x128xf32>
    %get3A_340 = arith.constant 0 : index
    %get3A_341 = arith.constant 53 : index
    %get3A_342 = arith.constant 0 : index
    %get3A_343 = arith.constant 0 : index
    %get3A_344 = vector.load %arg1[%get3A_340, %get3A_341, %get3A_342, %get3A_343] : memref<1x84x160x128xf32, #tpu.memory_space<vmem>>, vector<1x1x160x128xf32>
    %get3A_345 = vector.shape_cast %get3A_344 : vector<1x1x160x128xf32> to vector<160x128xf32>
    %max3A_346 = arith.maximumf %max3A_339, %get3A_345 : vector<160x128xf32>
    %get3A_347 = arith.constant 0 : index
    %get3A_348 = arith.constant 54 : index
    %get3A_349 = arith.constant 0 : index
    %get3A_350 = arith.constant 0 : index
    %get3A_351 = vector.load %arg1[%get3A_347, %get3A_348, %get3A_349, %get3A_350] : memref<1x84x160x128xf32, #tpu.memory_space<vmem>>, vector<1x1x160x128xf32>
    %get3A_352 = vector.shape_cast %get3A_351 : vector<1x1x160x128xf32> to vector<160x128xf32>
    %max3A_353 = arith.maximumf %max3A_346, %get3A_352 : vector<160x128xf32>
    %get3A_354 = arith.constant 0 : index
    %get3A_355 = arith.constant 55 : index
    %get3A_356 = arith.constant 0 : index
    %get3A_357 = arith.constant 0 : index
    %get3A_358 = vector.load %arg1[%get3A_354, %get3A_355, %get3A_356, %get3A_357] : memref<1x84x160x128xf32, #tpu.memory_space<vmem>>, vector<1x1x160x128xf32>
    %get3A_359 = vector.shape_cast %get3A_358 : vector<1x1x160x128xf32> to vector<160x128xf32>
    %max3A_360 = arith.maximumf %max3A_353, %get3A_359 : vector<160x128xf32>
    %get3A_361 = arith.constant 0 : index
    %get3A_362 = arith.constant 56 : index
    %get3A_363 = arith.constant 0 : index
    %get3A_364 = arith.constant 0 : index
    %get3A_365 = vector.load %arg1[%get3A_361, %get3A_362, %get3A_363, %get3A_364] : memref<1x84x160x128xf32, #tpu.memory_space<vmem>>, vector<1x1x160x128xf32>
    %get3A_366 = vector.shape_cast %get3A_365 : vector<1x1x160x128xf32> to vector<160x128xf32>
    %max3A_367 = arith.maximumf %max3A_360, %get3A_366 : vector<160x128xf32>
    %get3A_368 = arith.constant 0 : index
    %get3A_369 = arith.constant 57 : index
    %get3A_370 = arith.constant 0 : index
    %get3A_371 = arith.constant 0 : index
    %get3A_372 = vector.load %arg1[%get3A_368, %get3A_369, %get3A_370, %get3A_371] : memref<1x84x160x128xf32, #tpu.memory_space<vmem>>, vector<1x1x160x128xf32>
    %get3A_373 = vector.shape_cast %get3A_372 : vector<1x1x160x128xf32> to vector<160x128xf32>
    %max3A_374 = arith.maximumf %max3A_367, %get3A_373 : vector<160x128xf32>
    %get3A_375 = arith.constant 0 : index
    %get3A_376 = arith.constant 58 : index
    %get3A_377 = arith.constant 0 : index
    %get3A_378 = arith.constant 0 : index
    %get3A_379 = vector.load %arg1[%get3A_375, %get3A_376, %get3A_377, %get3A_378] : memref<1x84x160x128xf32, #tpu.memory_space<vmem>>, vector<1x1x160x128xf32>
    %get3A_380 = vector.shape_cast %get3A_379 : vector<1x1x160x128xf32> to vector<160x128xf32>
    %max3A_381 = arith.maximumf %max3A_374, %get3A_380 : vector<160x128xf32>
    %get3A_382 = arith.constant 0 : index
    %get3A_383 = arith.constant 59 : index
    %get3A_384 = arith.constant 0 : index
    %get3A_385 = arith.constant 0 : index
    %get3A_386 = vector.load %arg1[%get3A_382, %get3A_383, %get3A_384, %get3A_385] : memref<1x84x160x128xf32, #tpu.memory_space<vmem>>, vector<1x1x160x128xf32>
    %get3A_387 = vector.shape_cast %get3A_386 : vector<1x1x160x128xf32> to vector<160x128xf32>
    %max3A_388 = arith.maximumf %max3A_381, %get3A_387 : vector<160x128xf32>
    %get3A_389 = arith.constant 0 : index
    %get3A_390 = arith.constant 60 : index
    %get3A_391 = arith.constant 0 : index
    %get3A_392 = arith.constant 0 : index
    %get3A_393 = vector.load %arg1[%get3A_389, %get3A_390, %get3A_391, %get3A_392] : memref<1x84x160x128xf32, #tpu.memory_space<vmem>>, vector<1x1x160x128xf32>
    %get3A_394 = vector.shape_cast %get3A_393 : vector<1x1x160x128xf32> to vector<160x128xf32>
    %max3A_395 = arith.maximumf %max3A_388, %get3A_394 : vector<160x128xf32>
    %get3A_396 = arith.constant 0 : index
    %get3A_397 = arith.constant 61 : index
    %get3A_398 = arith.constant 0 : index
    %get3A_399 = arith.constant 0 : index
    %get3A_400 = vector.load %arg1[%get3A_396, %get3A_397, %get3A_398, %get3A_399] : memref<1x84x160x128xf32, #tpu.memory_space<vmem>>, vector<1x1x160x128xf32>
    %get3A_401 = vector.shape_cast %get3A_400 : vector<1x1x160x128xf32> to vector<160x128xf32>
    %max3A_402 = arith.maximumf %max3A_395, %get3A_401 : vector<160x128xf32>
    %get3A_403 = arith.constant 0 : index
    %get3A_404 = arith.constant 62 : index
    %get3A_405 = arith.constant 0 : index
    %get3A_406 = arith.constant 0 : index
    %get3A_407 = vector.load %arg1[%get3A_403, %get3A_404, %get3A_405, %get3A_406] : memref<1x84x160x128xf32, #tpu.memory_space<vmem>>, vector<1x1x160x128xf32>
    %get3A_408 = vector.shape_cast %get3A_407 : vector<1x1x160x128xf32> to vector<160x128xf32>
    %max3A_409 = arith.maximumf %max3A_402, %get3A_408 : vector<160x128xf32>
    %get3A_410 = arith.constant 0 : index
    %get3A_411 = arith.constant 63 : index
    %get3A_412 = arith.constant 0 : index
    %get3A_413 = arith.constant 0 : index
    %get3A_414 = vector.load %arg1[%get3A_410, %get3A_411, %get3A_412, %get3A_413] : memref<1x84x160x128xf32, #tpu.memory_space<vmem>>, vector<1x1x160x128xf32>
    %get3A_415 = vector.shape_cast %get3A_414 : vector<1x1x160x128xf32> to vector<160x128xf32>
    %max3A_416 = arith.maximumf %max3A_409, %get3A_415 : vector<160x128xf32>
    %get3A_417 = arith.constant 0 : index
    %get3A_418 = arith.constant 64 : index
    %get3A_419 = arith.constant 0 : index
    %get3A_420 = arith.constant 0 : index
    %get3A_421 = vector.load %arg1[%get3A_417, %get3A_418, %get3A_419, %get3A_420] : memref<1x84x160x128xf32, #tpu.memory_space<vmem>>, vector<1x1x160x128xf32>
    %get3A_422 = vector.shape_cast %get3A_421 : vector<1x1x160x128xf32> to vector<160x128xf32>
    %max3A_423 = arith.maximumf %max3A_416, %get3A_422 : vector<160x128xf32>
    %get3A_424 = arith.constant 0 : index
    %get3A_425 = arith.constant 65 : index
    %get3A_426 = arith.constant 0 : index
    %get3A_427 = arith.constant 0 : index
    %get3A_428 = vector.load %arg1[%get3A_424, %get3A_425, %get3A_426, %get3A_427] : memref<1x84x160x128xf32, #tpu.memory_space<vmem>>, vector<1x1x160x128xf32>
    %get3A_429 = vector.shape_cast %get3A_428 : vector<1x1x160x128xf32> to vector<160x128xf32>
    %max3A_430 = arith.maximumf %max3A_423, %get3A_429 : vector<160x128xf32>
    %get3A_431 = arith.constant 0 : index
    %get3A_432 = arith.constant 66 : index
    %get3A_433 = arith.constant 0 : index
    %get3A_434 = arith.constant 0 : index
    %get3A_435 = vector.load %arg1[%get3A_431, %get3A_432, %get3A_433, %get3A_434] : memref<1x84x160x128xf32, #tpu.memory_space<vmem>>, vector<1x1x160x128xf32>
    %get3A_436 = vector.shape_cast %get3A_435 : vector<1x1x160x128xf32> to vector<160x128xf32>
    %max3A_437 = arith.maximumf %max3A_430, %get3A_436 : vector<160x128xf32>
    %get3A_438 = arith.constant 0 : index
    %get3A_439 = arith.constant 67 : index
    %get3A_440 = arith.constant 0 : index
    %get3A_441 = arith.constant 0 : index
    %get3A_442 = vector.load %arg1[%get3A_438, %get3A_439, %get3A_440, %get3A_441] : memref<1x84x160x128xf32, #tpu.memory_space<vmem>>, vector<1x1x160x128xf32>
    %get3A_443 = vector.shape_cast %get3A_442 : vector<1x1x160x128xf32> to vector<160x128xf32>
    %max3A_444 = arith.maximumf %max3A_437, %get3A_443 : vector<160x128xf32>
    %get3A_445 = arith.constant 0 : index
    %get3A_446 = arith.constant 68 : index
    %get3A_447 = arith.constant 0 : index
    %get3A_448 = arith.constant 0 : index
    %get3A_449 = vector.load %arg1[%get3A_445, %get3A_446, %get3A_447, %get3A_448] : memref<1x84x160x128xf32, #tpu.memory_space<vmem>>, vector<1x1x160x128xf32>
    %get3A_450 = vector.shape_cast %get3A_449 : vector<1x1x160x128xf32> to vector<160x128xf32>
    %max3A_451 = arith.maximumf %max3A_444, %get3A_450 : vector<160x128xf32>
    %get3A_452 = arith.constant 0 : index
    %get3A_453 = arith.constant 69 : index
    %get3A_454 = arith.constant 0 : index
    %get3A_455 = arith.constant 0 : index
    %get3A_456 = vector.load %arg1[%get3A_452, %get3A_453, %get3A_454, %get3A_455] : memref<1x84x160x128xf32, #tpu.memory_space<vmem>>, vector<1x1x160x128xf32>
    %get3A_457 = vector.shape_cast %get3A_456 : vector<1x1x160x128xf32> to vector<160x128xf32>
    %max3A_458 = arith.maximumf %max3A_451, %get3A_457 : vector<160x128xf32>
    %get3A_459 = arith.constant 0 : index
    %get3A_460 = arith.constant 70 : index
    %get3A_461 = arith.constant 0 : index
    %get3A_462 = arith.constant 0 : index
    %get3A_463 = vector.load %arg1[%get3A_459, %get3A_460, %get3A_461, %get3A_462] : memref<1x84x160x128xf32, #tpu.memory_space<vmem>>, vector<1x1x160x128xf32>
    %get3A_464 = vector.shape_cast %get3A_463 : vector<1x1x160x128xf32> to vector<160x128xf32>
    %max3A_465 = arith.maximumf %max3A_458, %get3A_464 : vector<160x128xf32>
    %get3A_466 = arith.constant 0 : index
    %get3A_467 = arith.constant 71 : index
    %get3A_468 = arith.constant 0 : index
    %get3A_469 = arith.constant 0 : index
    %get3A_470 = vector.load %arg1[%get3A_466, %get3A_467, %get3A_468, %get3A_469] : memref<1x84x160x128xf32, #tpu.memory_space<vmem>>, vector<1x1x160x128xf32>
    %get3A_471 = vector.shape_cast %get3A_470 : vector<1x1x160x128xf32> to vector<160x128xf32>
    %max3A_472 = arith.maximumf %max3A_465, %get3A_471 : vector<160x128xf32>
    %get3A_473 = arith.constant 0 : index
    %get3A_474 = arith.constant 72 : index
    %get3A_475 = arith.constant 0 : index
    %get3A_476 = arith.constant 0 : index
    %get3A_477 = vector.load %arg1[%get3A_473, %get3A_474, %get3A_475, %get3A_476] : memref<1x84x160x128xf32, #tpu.memory_space<vmem>>, vector<1x1x160x128xf32>
    %get3A_478 = vector.shape_cast %get3A_477 : vector<1x1x160x128xf32> to vector<160x128xf32>
    %max3A_479 = arith.maximumf %max3A_472, %get3A_478 : vector<160x128xf32>
    %get3A_480 = arith.constant 0 : index
    %get3A_481 = arith.constant 73 : index
    %get3A_482 = arith.constant 0 : index
    %get3A_483 = arith.constant 0 : index
    %get3A_484 = vector.load %arg1[%get3A_480, %get3A_481, %get3A_482, %get3A_483] : memref<1x84x160x128xf32, #tpu.memory_space<vmem>>, vector<1x1x160x128xf32>
    %get3A_485 = vector.shape_cast %get3A_484 : vector<1x1x160x128xf32> to vector<160x128xf32>
    %max3A_486 = arith.maximumf %max3A_479, %get3A_485 : vector<160x128xf32>
    %get3A_487 = arith.constant 0 : index
    %get3A_488 = arith.constant 74 : index
    %get3A_489 = arith.constant 0 : index
    %get3A_490 = arith.constant 0 : index
    %get3A_491 = vector.load %arg1[%get3A_487, %get3A_488, %get3A_489, %get3A_490] : memref<1x84x160x128xf32, #tpu.memory_space<vmem>>, vector<1x1x160x128xf32>
    %get3A_492 = vector.shape_cast %get3A_491 : vector<1x1x160x128xf32> to vector<160x128xf32>
    %max3A_493 = arith.maximumf %max3A_486, %get3A_492 : vector<160x128xf32>
    %get3A_494 = arith.constant 0 : index
    %get3A_495 = arith.constant 75 : index
    %get3A_496 = arith.constant 0 : index
    %get3A_497 = arith.constant 0 : index
    %get3A_498 = vector.load %arg1[%get3A_494, %get3A_495, %get3A_496, %get3A_497] : memref<1x84x160x128xf32, #tpu.memory_space<vmem>>, vector<1x1x160x128xf32>
    %get3A_499 = vector.shape_cast %get3A_498 : vector<1x1x160x128xf32> to vector<160x128xf32>
    %max3A_500 = arith.maximumf %max3A_493, %get3A_499 : vector<160x128xf32>
    %get3A_501 = arith.constant 0 : index
    %get3A_502 = arith.constant 76 : index
    %get3A_503 = arith.constant 0 : index
    %get3A_504 = arith.constant 0 : index
    %get3A_505 = vector.load %arg1[%get3A_501, %get3A_502, %get3A_503, %get3A_504] : memref<1x84x160x128xf32, #tpu.memory_space<vmem>>, vector<1x1x160x128xf32>
    %get3A_506 = vector.shape_cast %get3A_505 : vector<1x1x160x128xf32> to vector<160x128xf32>
    %max3A_507 = arith.maximumf %max3A_500, %get3A_506 : vector<160x128xf32>
    %get3A_508 = arith.constant 0 : index
    %get3A_509 = arith.constant 77 : index
    %get3A_510 = arith.constant 0 : index
    %get3A_511 = arith.constant 0 : index
    %get3A_512 = vector.load %arg1[%get3A_508, %get3A_509, %get3A_510, %get3A_511] : memref<1x84x160x128xf32, #tpu.memory_space<vmem>>, vector<1x1x160x128xf32>
    %get3A_513 = vector.shape_cast %get3A_512 : vector<1x1x160x128xf32> to vector<160x128xf32>
    %max3A_514 = arith.maximumf %max3A_507, %get3A_513 : vector<160x128xf32>
    %get3A_515 = arith.constant 0 : index
    %get3A_516 = arith.constant 78 : index
    %get3A_517 = arith.constant 0 : index
    %get3A_518 = arith.constant 0 : index
    %get3A_519 = vector.load %arg1[%get3A_515, %get3A_516, %get3A_517, %get3A_518] : memref<1x84x160x128xf32, #tpu.memory_space<vmem>>, vector<1x1x160x128xf32>
    %get3A_520 = vector.shape_cast %get3A_519 : vector<1x1x160x128xf32> to vector<160x128xf32>
    %max3A_521 = arith.maximumf %max3A_514, %get3A_520 : vector<160x128xf32>
    %get3A_522 = arith.constant 0 : index
    %get3A_523 = arith.constant 79 : index
    %get3A_524 = arith.constant 0 : index
    %get3A_525 = arith.constant 0 : index
    %get3A_526 = vector.load %arg1[%get3A_522, %get3A_523, %get3A_524, %get3A_525] : memref<1x84x160x128xf32, #tpu.memory_space<vmem>>, vector<1x1x160x128xf32>
    %get3A_527 = vector.shape_cast %get3A_526 : vector<1x1x160x128xf32> to vector<160x128xf32>
    %max3A_528 = arith.maximumf %max3A_521, %get3A_527 : vector<160x128xf32>
    %get3A_529 = arith.constant 0 : index
    %get3A_530 = arith.constant 80 : index
    %get3A_531 = arith.constant 0 : index
    %get3A_532 = arith.constant 0 : index
    %get3A_533 = vector.load %arg1[%get3A_529, %get3A_530, %get3A_531, %get3A_532] : memref<1x84x160x128xf32, #tpu.memory_space<vmem>>, vector<1x1x160x128xf32>
    %get3A_534 = vector.shape_cast %get3A_533 : vector<1x1x160x128xf32> to vector<160x128xf32>
    %max3A_535 = arith.maximumf %max3A_528, %get3A_534 : vector<160x128xf32>
    %get3A_536 = arith.constant 0 : index
    %get3A_537 = arith.constant 81 : index
    %get3A_538 = arith.constant 0 : index
    %get3A_539 = arith.constant 0 : index
    %get3A_540 = vector.load %arg1[%get3A_536, %get3A_537, %get3A_538, %get3A_539] : memref<1x84x160x128xf32, #tpu.memory_space<vmem>>, vector<1x1x160x128xf32>
    %get3A_541 = vector.shape_cast %get3A_540 : vector<1x1x160x128xf32> to vector<160x128xf32>
    %max3A_542 = arith.maximumf %max3A_535, %get3A_541 : vector<160x128xf32>
    %get3A_543 = arith.constant 0 : index
    %get3A_544 = arith.constant 82 : index
    %get3A_545 = arith.constant 0 : index
    %get3A_546 = arith.constant 0 : index
    %get3A_547 = vector.load %arg1[%get3A_543, %get3A_544, %get3A_545, %get3A_546] : memref<1x84x160x128xf32, #tpu.memory_space<vmem>>, vector<1x1x160x128xf32>
    %get3A_548 = vector.shape_cast %get3A_547 : vector<1x1x160x128xf32> to vector<160x128xf32>
    %max3A_549 = arith.maximumf %max3A_542, %get3A_548 : vector<160x128xf32>
    %get3A_550 = arith.constant 0 : index
    %get3A_551 = arith.constant 83 : index
    %get3A_552 = arith.constant 0 : index
    %get3A_553 = arith.constant 0 : index
    %get3A_554 = vector.load %arg1[%get3A_550, %get3A_551, %get3A_552, %get3A_553] : memref<1x84x160x128xf32, #tpu.memory_space<vmem>>, vector<1x1x160x128xf32>
    %get3A_555 = vector.shape_cast %get3A_554 : vector<1x1x160x128xf32> to vector<160x128xf32>
    %max3A_556 = arith.maximumf %max3A_549, %get3A_555 : vector<160x128xf32>
    %broadcast_in_dim3A = arith.constant 80 : i32
    %broadcast_in_dim3A_557 = vector.broadcast %broadcast_in_dim3A : i32 to vector<160x128xi32>
    %get3A_558 = arith.constant 0 : index
    %get3A_559 = arith.constant 4 : index
    %get3A_560 = arith.constant 0 : index
    %get3A_561 = arith.constant 0 : index
    %get3A_562 = vector.load %arg1[%get3A_558, %get3A_559, %get3A_560, %get3A_561] : memref<1x84x160x128xf32, #tpu.memory_space<vmem>>, vector<1x1x160x128xf32>
    %get3A_563 = vector.shape_cast %get3A_562 : vector<1x1x160x128xf32> to vector<160x128xf32>
    %eq3A = arith.cmpf oeq, %get3A_563, %max3A_556 : vector<160x128xf32>
    %jit3A = arith.constant 0 : i32
    %jit3A_564 = arith.constant 80 : i32
    %broadcast_in_dim3A_565 = vector.broadcast %jit3A : i32 to vector<160x128xi32>
    %broadcast_in_dim3A_566 = vector.broadcast %jit3A_564 : i32 to vector<160x128xi32>
    %select_n3A = arith.select %eq3A, %broadcast_in_dim3A_565, %broadcast_in_dim3A_566 : vector<160x128xi1>, vector<160x128xi32>
    %min3A = arith.minsi %broadcast_in_dim3A_557, %select_n3A : vector<160x128xi32>
    %get3A_567 = arith.constant 0 : index
    %get3A_568 = arith.constant 5 : index
    %get3A_569 = arith.constant 0 : index
    %get3A_570 = arith.constant 0 : index
    %get3A_571 = vector.load %arg1[%get3A_567, %get3A_568, %get3A_569, %get3A_570] : memref<1x84x160x128xf32, #tpu.memory_space<vmem>>, vector<1x1x160x128xf32>
    %get3A_572 = vector.shape_cast %get3A_571 : vector<1x1x160x128xf32> to vector<160x128xf32>
    %eq3A_573 = arith.cmpf oeq, %get3A_572, %max3A_556 : vector<160x128xf32>
    %jit3A_574 = arith.constant 1 : i32
    %jit3A_575 = arith.constant 80 : i32
    %broadcast_in_dim3A_576 = vector.broadcast %jit3A_574 : i32 to vector<160x128xi32>
    %broadcast_in_dim3A_577 = vector.broadcast %jit3A_575 : i32 to vector<160x128xi32>
    %select_n3A_578 = arith.select %eq3A_573, %broadcast_in_dim3A_576, %broadcast_in_dim3A_577 : vector<160x128xi1>, vector<160x128xi32>
    %min3A_579 = arith.minsi %min3A, %select_n3A_578 : vector<160x128xi32>
    %get3A_580 = arith.constant 0 : index
    %get3A_581 = arith.constant 6 : index
    %get3A_582 = arith.constant 0 : index
    %get3A_583 = arith.constant 0 : index
    %get3A_584 = vector.load %arg1[%get3A_580, %get3A_581, %get3A_582, %get3A_583] : memref<1x84x160x128xf32, #tpu.memory_space<vmem>>, vector<1x1x160x128xf32>
    %get3A_585 = vector.shape_cast %get3A_584 : vector<1x1x160x128xf32> to vector<160x128xf32>
    %eq3A_586 = arith.cmpf oeq, %get3A_585, %max3A_556 : vector<160x128xf32>
    %jit3A_587 = arith.constant 2 : i32
    %jit3A_588 = arith.constant 80 : i32
    %broadcast_in_dim3A_589 = vector.broadcast %jit3A_587 : i32 to vector<160x128xi32>
    %broadcast_in_dim3A_590 = vector.broadcast %jit3A_588 : i32 to vector<160x128xi32>
    %select_n3A_591 = arith.select %eq3A_586, %broadcast_in_dim3A_589, %broadcast_in_dim3A_590 : vector<160x128xi1>, vector<160x128xi32>
    %min3A_592 = arith.minsi %min3A_579, %select_n3A_591 : vector<160x128xi32>
    %get3A_593 = arith.constant 0 : index
    %get3A_594 = arith.constant 7 : index
    %get3A_595 = arith.constant 0 : index
    %get3A_596 = arith.constant 0 : index
    %get3A_597 = vector.load %arg1[%get3A_593, %get3A_594, %get3A_595, %get3A_596] : memref<1x84x160x128xf32, #tpu.memory_space<vmem>>, vector<1x1x160x128xf32>
    %get3A_598 = vector.shape_cast %get3A_597 : vector<1x1x160x128xf32> to vector<160x128xf32>
    %eq3A_599 = arith.cmpf oeq, %get3A_598, %max3A_556 : vector<160x128xf32>
    %jit3A_600 = arith.constant 3 : i32
    %jit3A_601 = arith.constant 80 : i32
    %broadcast_in_dim3A_602 = vector.broadcast %jit3A_600 : i32 to vector<160x128xi32>
    %broadcast_in_dim3A_603 = vector.broadcast %jit3A_601 : i32 to vector<160x128xi32>
    %select_n3A_604 = arith.select %eq3A_599, %broadcast_in_dim3A_602, %broadcast_in_dim3A_603 : vector<160x128xi1>, vector<160x128xi32>
    %min3A_605 = arith.minsi %min3A_592, %select_n3A_604 : vector<160x128xi32>
    %get3A_606 = arith.constant 0 : index
    %get3A_607 = arith.constant 8 : index
    %get3A_608 = arith.constant 0 : index
    %get3A_609 = arith.constant 0 : index
    %get3A_610 = vector.load %arg1[%get3A_606, %get3A_607, %get3A_608, %get3A_609] : memref<1x84x160x128xf32, #tpu.memory_space<vmem>>, vector<1x1x160x128xf32>
    %get3A_611 = vector.shape_cast %get3A_610 : vector<1x1x160x128xf32> to vector<160x128xf32>
    %eq3A_612 = arith.cmpf oeq, %get3A_611, %max3A_556 : vector<160x128xf32>
    %jit3A_613 = arith.constant 4 : i32
    %jit3A_614 = arith.constant 80 : i32
    %broadcast_in_dim3A_615 = vector.broadcast %jit3A_613 : i32 to vector<160x128xi32>
    %broadcast_in_dim3A_616 = vector.broadcast %jit3A_614 : i32 to vector<160x128xi32>
    %select_n3A_617 = arith.select %eq3A_612, %broadcast_in_dim3A_615, %broadcast_in_dim3A_616 : vector<160x128xi1>, vector<160x128xi32>
    %min3A_618 = arith.minsi %min3A_605, %select_n3A_617 : vector<160x128xi32>
    %get3A_619 = arith.constant 0 : index
    %get3A_620 = arith.constant 9 : index
    %get3A_621 = arith.constant 0 : index
    %get3A_622 = arith.constant 0 : index
    %get3A_623 = vector.load %arg1[%get3A_619, %get3A_620, %get3A_621, %get3A_622] : memref<1x84x160x128xf32, #tpu.memory_space<vmem>>, vector<1x1x160x128xf32>
    %get3A_624 = vector.shape_cast %get3A_623 : vector<1x1x160x128xf32> to vector<160x128xf32>
    %eq3A_625 = arith.cmpf oeq, %get3A_624, %max3A_556 : vector<160x128xf32>
    %jit3A_626 = arith.constant 5 : i32
    %jit3A_627 = arith.constant 80 : i32
    %broadcast_in_dim3A_628 = vector.broadcast %jit3A_626 : i32 to vector<160x128xi32>
    %broadcast_in_dim3A_629 = vector.broadcast %jit3A_627 : i32 to vector<160x128xi32>
    %select_n3A_630 = arith.select %eq3A_625, %broadcast_in_dim3A_628, %broadcast_in_dim3A_629 : vector<160x128xi1>, vector<160x128xi32>
    %min3A_631 = arith.minsi %min3A_618, %select_n3A_630 : vector<160x128xi32>
    %get3A_632 = arith.constant 0 : index
    %get3A_633 = arith.constant 10 : index
    %get3A_634 = arith.constant 0 : index
    %get3A_635 = arith.constant 0 : index
    %get3A_636 = vector.load %arg1[%get3A_632, %get3A_633, %get3A_634, %get3A_635] : memref<1x84x160x128xf32, #tpu.memory_space<vmem>>, vector<1x1x160x128xf32>
    %get3A_637 = vector.shape_cast %get3A_636 : vector<1x1x160x128xf32> to vector<160x128xf32>
    %eq3A_638 = arith.cmpf oeq, %get3A_637, %max3A_556 : vector<160x128xf32>
    %jit3A_639 = arith.constant 6 : i32
    %jit3A_640 = arith.constant 80 : i32
    %broadcast_in_dim3A_641 = vector.broadcast %jit3A_639 : i32 to vector<160x128xi32>
    %broadcast_in_dim3A_642 = vector.broadcast %jit3A_640 : i32 to vector<160x128xi32>
    %select_n3A_643 = arith.select %eq3A_638, %broadcast_in_dim3A_641, %broadcast_in_dim3A_642 : vector<160x128xi1>, vector<160x128xi32>
    %min3A_644 = arith.minsi %min3A_631, %select_n3A_643 : vector<160x128xi32>
    %get3A_645 = arith.constant 0 : index
    %get3A_646 = arith.constant 11 : index
    %get3A_647 = arith.constant 0 : index
    %get3A_648 = arith.constant 0 : index
    %get3A_649 = vector.load %arg1[%get3A_645, %get3A_646, %get3A_647, %get3A_648] : memref<1x84x160x128xf32, #tpu.memory_space<vmem>>, vector<1x1x160x128xf32>
    %get3A_650 = vector.shape_cast %get3A_649 : vector<1x1x160x128xf32> to vector<160x128xf32>
    %eq3A_651 = arith.cmpf oeq, %get3A_650, %max3A_556 : vector<160x128xf32>
    %jit3A_652 = arith.constant 7 : i32
    %jit3A_653 = arith.constant 80 : i32
    %broadcast_in_dim3A_654 = vector.broadcast %jit3A_652 : i32 to vector<160x128xi32>
    %broadcast_in_dim3A_655 = vector.broadcast %jit3A_653 : i32 to vector<160x128xi32>
    %select_n3A_656 = arith.select %eq3A_651, %broadcast_in_dim3A_654, %broadcast_in_dim3A_655 : vector<160x128xi1>, vector<160x128xi32>
    %min3A_657 = arith.minsi %min3A_644, %select_n3A_656 : vector<160x128xi32>
    %get3A_658 = arith.constant 0 : index
    %get3A_659 = arith.constant 12 : index
    %get3A_660 = arith.constant 0 : index
    %get3A_661 = arith.constant 0 : index
    %get3A_662 = vector.load %arg1[%get3A_658, %get3A_659, %get3A_660, %get3A_661] : memref<1x84x160x128xf32, #tpu.memory_space<vmem>>, vector<1x1x160x128xf32>
    %get3A_663 = vector.shape_cast %get3A_662 : vector<1x1x160x128xf32> to vector<160x128xf32>
    %eq3A_664 = arith.cmpf oeq, %get3A_663, %max3A_556 : vector<160x128xf32>
    %jit3A_665 = arith.constant 8 : i32
    %jit3A_666 = arith.constant 80 : i32
    %broadcast_in_dim3A_667 = vector.broadcast %jit3A_665 : i32 to vector<160x128xi32>
    %broadcast_in_dim3A_668 = vector.broadcast %jit3A_666 : i32 to vector<160x128xi32>
    %select_n3A_669 = arith.select %eq3A_664, %broadcast_in_dim3A_667, %broadcast_in_dim3A_668 : vector<160x128xi1>, vector<160x128xi32>
    %min3A_670 = arith.minsi %min3A_657, %select_n3A_669 : vector<160x128xi32>
    %get3A_671 = arith.constant 0 : index
    %get3A_672 = arith.constant 13 : index
    %get3A_673 = arith.constant 0 : index
    %get3A_674 = arith.constant 0 : index
    %get3A_675 = vector.load %arg1[%get3A_671, %get3A_672, %get3A_673, %get3A_674] : memref<1x84x160x128xf32, #tpu.memory_space<vmem>>, vector<1x1x160x128xf32>
    %get3A_676 = vector.shape_cast %get3A_675 : vector<1x1x160x128xf32> to vector<160x128xf32>
    %eq3A_677 = arith.cmpf oeq, %get3A_676, %max3A_556 : vector<160x128xf32>
    %jit3A_678 = arith.constant 9 : i32
    %jit3A_679 = arith.constant 80 : i32
    %broadcast_in_dim3A_680 = vector.broadcast %jit3A_678 : i32 to vector<160x128xi32>
    %broadcast_in_dim3A_681 = vector.broadcast %jit3A_679 : i32 to vector<160x128xi32>
    %select_n3A_682 = arith.select %eq3A_677, %broadcast_in_dim3A_680, %broadcast_in_dim3A_681 : vector<160x128xi1>, vector<160x128xi32>
    %min3A_683 = arith.minsi %min3A_670, %select_n3A_682 : vector<160x128xi32>
    %get3A_684 = arith.constant 0 : index
    %get3A_685 = arith.constant 14 : index
    %get3A_686 = arith.constant 0 : index
    %get3A_687 = arith.constant 0 : index
    %get3A_688 = vector.load %arg1[%get3A_684, %get3A_685, %get3A_686, %get3A_687] : memref<1x84x160x128xf32, #tpu.memory_space<vmem>>, vector<1x1x160x128xf32>
    %get3A_689 = vector.shape_cast %get3A_688 : vector<1x1x160x128xf32> to vector<160x128xf32>
    %eq3A_690 = arith.cmpf oeq, %get3A_689, %max3A_556 : vector<160x128xf32>
    %jit3A_691 = arith.constant 10 : i32
    %jit3A_692 = arith.constant 80 : i32
    %broadcast_in_dim3A_693 = vector.broadcast %jit3A_691 : i32 to vector<160x128xi32>
    %broadcast_in_dim3A_694 = vector.broadcast %jit3A_692 : i32 to vector<160x128xi32>
    %select_n3A_695 = arith.select %eq3A_690, %broadcast_in_dim3A_693, %broadcast_in_dim3A_694 : vector<160x128xi1>, vector<160x128xi32>
    %min3A_696 = arith.minsi %min3A_683, %select_n3A_695 : vector<160x128xi32>
    %get3A_697 = arith.constant 0 : index
    %get3A_698 = arith.constant 15 : index
    %get3A_699 = arith.constant 0 : index
    %get3A_700 = arith.constant 0 : index
    %get3A_701 = vector.load %arg1[%get3A_697, %get3A_698, %get3A_699, %get3A_700] : memref<1x84x160x128xf32, #tpu.memory_space<vmem>>, vector<1x1x160x128xf32>
    %get3A_702 = vector.shape_cast %get3A_701 : vector<1x1x160x128xf32> to vector<160x128xf32>
    %eq3A_703 = arith.cmpf oeq, %get3A_702, %max3A_556 : vector<160x128xf32>
    %jit3A_704 = arith.constant 11 : i32
    %jit3A_705 = arith.constant 80 : i32
    %broadcast_in_dim3A_706 = vector.broadcast %jit3A_704 : i32 to vector<160x128xi32>
    %broadcast_in_dim3A_707 = vector.broadcast %jit3A_705 : i32 to vector<160x128xi32>
    %select_n3A_708 = arith.select %eq3A_703, %broadcast_in_dim3A_706, %broadcast_in_dim3A_707 : vector<160x128xi1>, vector<160x128xi32>
    %min3A_709 = arith.minsi %min3A_696, %select_n3A_708 : vector<160x128xi32>
    %get3A_710 = arith.constant 0 : index
    %get3A_711 = arith.constant 16 : index
    %get3A_712 = arith.constant 0 : index
    %get3A_713 = arith.constant 0 : index
    %get3A_714 = vector.load %arg1[%get3A_710, %get3A_711, %get3A_712, %get3A_713] : memref<1x84x160x128xf32, #tpu.memory_space<vmem>>, vector<1x1x160x128xf32>
    %get3A_715 = vector.shape_cast %get3A_714 : vector<1x1x160x128xf32> to vector<160x128xf32>
    %eq3A_716 = arith.cmpf oeq, %get3A_715, %max3A_556 : vector<160x128xf32>
    %jit3A_717 = arith.constant 12 : i32
    %jit3A_718 = arith.constant 80 : i32
    %broadcast_in_dim3A_719 = vector.broadcast %jit3A_717 : i32 to vector<160x128xi32>
    %broadcast_in_dim3A_720 = vector.broadcast %jit3A_718 : i32 to vector<160x128xi32>
    %select_n3A_721 = arith.select %eq3A_716, %broadcast_in_dim3A_719, %broadcast_in_dim3A_720 : vector<160x128xi1>, vector<160x128xi32>
    %min3A_722 = arith.minsi %min3A_709, %select_n3A_721 : vector<160x128xi32>
    %get3A_723 = arith.constant 0 : index
    %get3A_724 = arith.constant 17 : index
    %get3A_725 = arith.constant 0 : index
    %get3A_726 = arith.constant 0 : index
    %get3A_727 = vector.load %arg1[%get3A_723, %get3A_724, %get3A_725, %get3A_726] : memref<1x84x160x128xf32, #tpu.memory_space<vmem>>, vector<1x1x160x128xf32>
    %get3A_728 = vector.shape_cast %get3A_727 : vector<1x1x160x128xf32> to vector<160x128xf32>
    %eq3A_729 = arith.cmpf oeq, %get3A_728, %max3A_556 : vector<160x128xf32>
    %jit3A_730 = arith.constant 13 : i32
    %jit3A_731 = arith.constant 80 : i32
    %broadcast_in_dim3A_732 = vector.broadcast %jit3A_730 : i32 to vector<160x128xi32>
    %broadcast_in_dim3A_733 = vector.broadcast %jit3A_731 : i32 to vector<160x128xi32>
    %select_n3A_734 = arith.select %eq3A_729, %broadcast_in_dim3A_732, %broadcast_in_dim3A_733 : vector<160x128xi1>, vector<160x128xi32>
    %min3A_735 = arith.minsi %min3A_722, %select_n3A_734 : vector<160x128xi32>
    %get3A_736 = arith.constant 0 : index
    %get3A_737 = arith.constant 18 : index
    %get3A_738 = arith.constant 0 : index
    %get3A_739 = arith.constant 0 : index
    %get3A_740 = vector.load %arg1[%get3A_736, %get3A_737, %get3A_738, %get3A_739] : memref<1x84x160x128xf32, #tpu.memory_space<vmem>>, vector<1x1x160x128xf32>
    %get3A_741 = vector.shape_cast %get3A_740 : vector<1x1x160x128xf32> to vector<160x128xf32>
    %eq3A_742 = arith.cmpf oeq, %get3A_741, %max3A_556 : vector<160x128xf32>
    %jit3A_743 = arith.constant 14 : i32
    %jit3A_744 = arith.constant 80 : i32
    %broadcast_in_dim3A_745 = vector.broadcast %jit3A_743 : i32 to vector<160x128xi32>
    %broadcast_in_dim3A_746 = vector.broadcast %jit3A_744 : i32 to vector<160x128xi32>
    %select_n3A_747 = arith.select %eq3A_742, %broadcast_in_dim3A_745, %broadcast_in_dim3A_746 : vector<160x128xi1>, vector<160x128xi32>
    %min3A_748 = arith.minsi %min3A_735, %select_n3A_747 : vector<160x128xi32>
    %get3A_749 = arith.constant 0 : index
    %get3A_750 = arith.constant 19 : index
    %get3A_751 = arith.constant 0 : index
    %get3A_752 = arith.constant 0 : index
    %get3A_753 = vector.load %arg1[%get3A_749, %get3A_750, %get3A_751, %get3A_752] : memref<1x84x160x128xf32, #tpu.memory_space<vmem>>, vector<1x1x160x128xf32>
    %get3A_754 = vector.shape_cast %get3A_753 : vector<1x1x160x128xf32> to vector<160x128xf32>
    %eq3A_755 = arith.cmpf oeq, %get3A_754, %max3A_556 : vector<160x128xf32>
    %jit3A_756 = arith.constant 15 : i32
    %jit3A_757 = arith.constant 80 : i32
    %broadcast_in_dim3A_758 = vector.broadcast %jit3A_756 : i32 to vector<160x128xi32>
    %broadcast_in_dim3A_759 = vector.broadcast %jit3A_757 : i32 to vector<160x128xi32>
    %select_n3A_760 = arith.select %eq3A_755, %broadcast_in_dim3A_758, %broadcast_in_dim3A_759 : vector<160x128xi1>, vector<160x128xi32>
    %min3A_761 = arith.minsi %min3A_748, %select_n3A_760 : vector<160x128xi32>
    %get3A_762 = arith.constant 0 : index
    %get3A_763 = arith.constant 20 : index
    %get3A_764 = arith.constant 0 : index
    %get3A_765 = arith.constant 0 : index
    %get3A_766 = vector.load %arg1[%get3A_762, %get3A_763, %get3A_764, %get3A_765] : memref<1x84x160x128xf32, #tpu.memory_space<vmem>>, vector<1x1x160x128xf32>
    %get3A_767 = vector.shape_cast %get3A_766 : vector<1x1x160x128xf32> to vector<160x128xf32>
    %eq3A_768 = arith.cmpf oeq, %get3A_767, %max3A_556 : vector<160x128xf32>
    %jit3A_769 = arith.constant 16 : i32
    %jit3A_770 = arith.constant 80 : i32
    %broadcast_in_dim3A_771 = vector.broadcast %jit3A_769 : i32 to vector<160x128xi32>
    %broadcast_in_dim3A_772 = vector.broadcast %jit3A_770 : i32 to vector<160x128xi32>
    %select_n3A_773 = arith.select %eq3A_768, %broadcast_in_dim3A_771, %broadcast_in_dim3A_772 : vector<160x128xi1>, vector<160x128xi32>
    %min3A_774 = arith.minsi %min3A_761, %select_n3A_773 : vector<160x128xi32>
    %get3A_775 = arith.constant 0 : index
    %get3A_776 = arith.constant 21 : index
    %get3A_777 = arith.constant 0 : index
    %get3A_778 = arith.constant 0 : index
    %get3A_779 = vector.load %arg1[%get3A_775, %get3A_776, %get3A_777, %get3A_778] : memref<1x84x160x128xf32, #tpu.memory_space<vmem>>, vector<1x1x160x128xf32>
    %get3A_780 = vector.shape_cast %get3A_779 : vector<1x1x160x128xf32> to vector<160x128xf32>
    %eq3A_781 = arith.cmpf oeq, %get3A_780, %max3A_556 : vector<160x128xf32>
    %jit3A_782 = arith.constant 17 : i32
    %jit3A_783 = arith.constant 80 : i32
    %broadcast_in_dim3A_784 = vector.broadcast %jit3A_782 : i32 to vector<160x128xi32>
    %broadcast_in_dim3A_785 = vector.broadcast %jit3A_783 : i32 to vector<160x128xi32>
    %select_n3A_786 = arith.select %eq3A_781, %broadcast_in_dim3A_784, %broadcast_in_dim3A_785 : vector<160x128xi1>, vector<160x128xi32>
    %min3A_787 = arith.minsi %min3A_774, %select_n3A_786 : vector<160x128xi32>
    %get3A_788 = arith.constant 0 : index
    %get3A_789 = arith.constant 22 : index
    %get3A_790 = arith.constant 0 : index
    %get3A_791 = arith.constant 0 : index
    %get3A_792 = vector.load %arg1[%get3A_788, %get3A_789, %get3A_790, %get3A_791] : memref<1x84x160x128xf32, #tpu.memory_space<vmem>>, vector<1x1x160x128xf32>
    %get3A_793 = vector.shape_cast %get3A_792 : vector<1x1x160x128xf32> to vector<160x128xf32>
    %eq3A_794 = arith.cmpf oeq, %get3A_793, %max3A_556 : vector<160x128xf32>
    %jit3A_795 = arith.constant 18 : i32
    %jit3A_796 = arith.constant 80 : i32
    %broadcast_in_dim3A_797 = vector.broadcast %jit3A_795 : i32 to vector<160x128xi32>
    %broadcast_in_dim3A_798 = vector.broadcast %jit3A_796 : i32 to vector<160x128xi32>
    %select_n3A_799 = arith.select %eq3A_794, %broadcast_in_dim3A_797, %broadcast_in_dim3A_798 : vector<160x128xi1>, vector<160x128xi32>
    %min3A_800 = arith.minsi %min3A_787, %select_n3A_799 : vector<160x128xi32>
    %get3A_801 = arith.constant 0 : index
    %get3A_802 = arith.constant 23 : index
    %get3A_803 = arith.constant 0 : index
    %get3A_804 = arith.constant 0 : index
    %get3A_805 = vector.load %arg1[%get3A_801, %get3A_802, %get3A_803, %get3A_804] : memref<1x84x160x128xf32, #tpu.memory_space<vmem>>, vector<1x1x160x128xf32>
    %get3A_806 = vector.shape_cast %get3A_805 : vector<1x1x160x128xf32> to vector<160x128xf32>
    %eq3A_807 = arith.cmpf oeq, %get3A_806, %max3A_556 : vector<160x128xf32>
    %jit3A_808 = arith.constant 19 : i32
    %jit3A_809 = arith.constant 80 : i32
    %broadcast_in_dim3A_810 = vector.broadcast %jit3A_808 : i32 to vector<160x128xi32>
    %broadcast_in_dim3A_811 = vector.broadcast %jit3A_809 : i32 to vector<160x128xi32>
    %select_n3A_812 = arith.select %eq3A_807, %broadcast_in_dim3A_810, %broadcast_in_dim3A_811 : vector<160x128xi1>, vector<160x128xi32>
    %min3A_813 = arith.minsi %min3A_800, %select_n3A_812 : vector<160x128xi32>
    %get3A_814 = arith.constant 0 : index
    %get3A_815 = arith.constant 24 : index
    %get3A_816 = arith.constant 0 : index
    %get3A_817 = arith.constant 0 : index
    %get3A_818 = vector.load %arg1[%get3A_814, %get3A_815, %get3A_816, %get3A_817] : memref<1x84x160x128xf32, #tpu.memory_space<vmem>>, vector<1x1x160x128xf32>
    %get3A_819 = vector.shape_cast %get3A_818 : vector<1x1x160x128xf32> to vector<160x128xf32>
    %eq3A_820 = arith.cmpf oeq, %get3A_819, %max3A_556 : vector<160x128xf32>
    %jit3A_821 = arith.constant 20 : i32
    %jit3A_822 = arith.constant 80 : i32
    %broadcast_in_dim3A_823 = vector.broadcast %jit3A_821 : i32 to vector<160x128xi32>
    %broadcast_in_dim3A_824 = vector.broadcast %jit3A_822 : i32 to vector<160x128xi32>
    %select_n3A_825 = arith.select %eq3A_820, %broadcast_in_dim3A_823, %broadcast_in_dim3A_824 : vector<160x128xi1>, vector<160x128xi32>
    %min3A_826 = arith.minsi %min3A_813, %select_n3A_825 : vector<160x128xi32>
    %get3A_827 = arith.constant 0 : index
    %get3A_828 = arith.constant 25 : index
    %get3A_829 = arith.constant 0 : index
    %get3A_830 = arith.constant 0 : index
    %get3A_831 = vector.load %arg1[%get3A_827, %get3A_828, %get3A_829, %get3A_830] : memref<1x84x160x128xf32, #tpu.memory_space<vmem>>, vector<1x1x160x128xf32>
    %get3A_832 = vector.shape_cast %get3A_831 : vector<1x1x160x128xf32> to vector<160x128xf32>
    %eq3A_833 = arith.cmpf oeq, %get3A_832, %max3A_556 : vector<160x128xf32>
    %jit3A_834 = arith.constant 21 : i32
    %jit3A_835 = arith.constant 80 : i32
    %broadcast_in_dim3A_836 = vector.broadcast %jit3A_834 : i32 to vector<160x128xi32>
    %broadcast_in_dim3A_837 = vector.broadcast %jit3A_835 : i32 to vector<160x128xi32>
    %select_n3A_838 = arith.select %eq3A_833, %broadcast_in_dim3A_836, %broadcast_in_dim3A_837 : vector<160x128xi1>, vector<160x128xi32>
    %min3A_839 = arith.minsi %min3A_826, %select_n3A_838 : vector<160x128xi32>
    %get3A_840 = arith.constant 0 : index
    %get3A_841 = arith.constant 26 : index
    %get3A_842 = arith.constant 0 : index
    %get3A_843 = arith.constant 0 : index
    %get3A_844 = vector.load %arg1[%get3A_840, %get3A_841, %get3A_842, %get3A_843] : memref<1x84x160x128xf32, #tpu.memory_space<vmem>>, vector<1x1x160x128xf32>
    %get3A_845 = vector.shape_cast %get3A_844 : vector<1x1x160x128xf32> to vector<160x128xf32>
    %eq3A_846 = arith.cmpf oeq, %get3A_845, %max3A_556 : vector<160x128xf32>
    %jit3A_847 = arith.constant 22 : i32
    %jit3A_848 = arith.constant 80 : i32
    %broadcast_in_dim3A_849 = vector.broadcast %jit3A_847 : i32 to vector<160x128xi32>
    %broadcast_in_dim3A_850 = vector.broadcast %jit3A_848 : i32 to vector<160x128xi32>
    %select_n3A_851 = arith.select %eq3A_846, %broadcast_in_dim3A_849, %broadcast_in_dim3A_850 : vector<160x128xi1>, vector<160x128xi32>
    %min3A_852 = arith.minsi %min3A_839, %select_n3A_851 : vector<160x128xi32>
    %get3A_853 = arith.constant 0 : index
    %get3A_854 = arith.constant 27 : index
    %get3A_855 = arith.constant 0 : index
    %get3A_856 = arith.constant 0 : index
    %get3A_857 = vector.load %arg1[%get3A_853, %get3A_854, %get3A_855, %get3A_856] : memref<1x84x160x128xf32, #tpu.memory_space<vmem>>, vector<1x1x160x128xf32>
    %get3A_858 = vector.shape_cast %get3A_857 : vector<1x1x160x128xf32> to vector<160x128xf32>
    %eq3A_859 = arith.cmpf oeq, %get3A_858, %max3A_556 : vector<160x128xf32>
    %jit3A_860 = arith.constant 23 : i32
    %jit3A_861 = arith.constant 80 : i32
    %broadcast_in_dim3A_862 = vector.broadcast %jit3A_860 : i32 to vector<160x128xi32>
    %broadcast_in_dim3A_863 = vector.broadcast %jit3A_861 : i32 to vector<160x128xi32>
    %select_n3A_864 = arith.select %eq3A_859, %broadcast_in_dim3A_862, %broadcast_in_dim3A_863 : vector<160x128xi1>, vector<160x128xi32>
    %min3A_865 = arith.minsi %min3A_852, %select_n3A_864 : vector<160x128xi32>
    %get3A_866 = arith.constant 0 : index
    %get3A_867 = arith.constant 28 : index
    %get3A_868 = arith.constant 0 : index
    %get3A_869 = arith.constant 0 : index
    %get3A_870 = vector.load %arg1[%get3A_866, %get3A_867, %get3A_868, %get3A_869] : memref<1x84x160x128xf32, #tpu.memory_space<vmem>>, vector<1x1x160x128xf32>
    %get3A_871 = vector.shape_cast %get3A_870 : vector<1x1x160x128xf32> to vector<160x128xf32>
    %eq3A_872 = arith.cmpf oeq, %get3A_871, %max3A_556 : vector<160x128xf32>
    %jit3A_873 = arith.constant 24 : i32
    %jit3A_874 = arith.constant 80 : i32
    %broadcast_in_dim3A_875 = vector.broadcast %jit3A_873 : i32 to vector<160x128xi32>
    %broadcast_in_dim3A_876 = vector.broadcast %jit3A_874 : i32 to vector<160x128xi32>
    %select_n3A_877 = arith.select %eq3A_872, %broadcast_in_dim3A_875, %broadcast_in_dim3A_876 : vector<160x128xi1>, vector<160x128xi32>
    %min3A_878 = arith.minsi %min3A_865, %select_n3A_877 : vector<160x128xi32>
    %get3A_879 = arith.constant 0 : index
    %get3A_880 = arith.constant 29 : index
    %get3A_881 = arith.constant 0 : index
    %get3A_882 = arith.constant 0 : index
    %get3A_883 = vector.load %arg1[%get3A_879, %get3A_880, %get3A_881, %get3A_882] : memref<1x84x160x128xf32, #tpu.memory_space<vmem>>, vector<1x1x160x128xf32>
    %get3A_884 = vector.shape_cast %get3A_883 : vector<1x1x160x128xf32> to vector<160x128xf32>
    %eq3A_885 = arith.cmpf oeq, %get3A_884, %max3A_556 : vector<160x128xf32>
    %jit3A_886 = arith.constant 25 : i32
    %jit3A_887 = arith.constant 80 : i32
    %broadcast_in_dim3A_888 = vector.broadcast %jit3A_886 : i32 to vector<160x128xi32>
    %broadcast_in_dim3A_889 = vector.broadcast %jit3A_887 : i32 to vector<160x128xi32>
    %select_n3A_890 = arith.select %eq3A_885, %broadcast_in_dim3A_888, %broadcast_in_dim3A_889 : vector<160x128xi1>, vector<160x128xi32>
    %min3A_891 = arith.minsi %min3A_878, %select_n3A_890 : vector<160x128xi32>
    %get3A_892 = arith.constant 0 : index
    %get3A_893 = arith.constant 30 : index
    %get3A_894 = arith.constant 0 : index
    %get3A_895 = arith.constant 0 : index
    %get3A_896 = vector.load %arg1[%get3A_892, %get3A_893, %get3A_894, %get3A_895] : memref<1x84x160x128xf32, #tpu.memory_space<vmem>>, vector<1x1x160x128xf32>
    %get3A_897 = vector.shape_cast %get3A_896 : vector<1x1x160x128xf32> to vector<160x128xf32>
    %eq3A_898 = arith.cmpf oeq, %get3A_897, %max3A_556 : vector<160x128xf32>
    %jit3A_899 = arith.constant 26 : i32
    %jit3A_900 = arith.constant 80 : i32
    %broadcast_in_dim3A_901 = vector.broadcast %jit3A_899 : i32 to vector<160x128xi32>
    %broadcast_in_dim3A_902 = vector.broadcast %jit3A_900 : i32 to vector<160x128xi32>
    %select_n3A_903 = arith.select %eq3A_898, %broadcast_in_dim3A_901, %broadcast_in_dim3A_902 : vector<160x128xi1>, vector<160x128xi32>
    %min3A_904 = arith.minsi %min3A_891, %select_n3A_903 : vector<160x128xi32>
    %get3A_905 = arith.constant 0 : index
    %get3A_906 = arith.constant 31 : index
    %get3A_907 = arith.constant 0 : index
    %get3A_908 = arith.constant 0 : index
    %get3A_909 = vector.load %arg1[%get3A_905, %get3A_906, %get3A_907, %get3A_908] : memref<1x84x160x128xf32, #tpu.memory_space<vmem>>, vector<1x1x160x128xf32>
    %get3A_910 = vector.shape_cast %get3A_909 : vector<1x1x160x128xf32> to vector<160x128xf32>
    %eq3A_911 = arith.cmpf oeq, %get3A_910, %max3A_556 : vector<160x128xf32>
    %jit3A_912 = arith.constant 27 : i32
    %jit3A_913 = arith.constant 80 : i32
    %broadcast_in_dim3A_914 = vector.broadcast %jit3A_912 : i32 to vector<160x128xi32>
    %broadcast_in_dim3A_915 = vector.broadcast %jit3A_913 : i32 to vector<160x128xi32>
    %select_n3A_916 = arith.select %eq3A_911, %broadcast_in_dim3A_914, %broadcast_in_dim3A_915 : vector<160x128xi1>, vector<160x128xi32>
    %min3A_917 = arith.minsi %min3A_904, %select_n3A_916 : vector<160x128xi32>
    %get3A_918 = arith.constant 0 : index
    %get3A_919 = arith.constant 32 : index
    %get3A_920 = arith.constant 0 : index
    %get3A_921 = arith.constant 0 : index
    %get3A_922 = vector.load %arg1[%get3A_918, %get3A_919, %get3A_920, %get3A_921] : memref<1x84x160x128xf32, #tpu.memory_space<vmem>>, vector<1x1x160x128xf32>
    %get3A_923 = vector.shape_cast %get3A_922 : vector<1x1x160x128xf32> to vector<160x128xf32>
    %eq3A_924 = arith.cmpf oeq, %get3A_923, %max3A_556 : vector<160x128xf32>
    %jit3A_925 = arith.constant 28 : i32
    %jit3A_926 = arith.constant 80 : i32
    %broadcast_in_dim3A_927 = vector.broadcast %jit3A_925 : i32 to vector<160x128xi32>
    %broadcast_in_dim3A_928 = vector.broadcast %jit3A_926 : i32 to vector<160x128xi32>
    %select_n3A_929 = arith.select %eq3A_924, %broadcast_in_dim3A_927, %broadcast_in_dim3A_928 : vector<160x128xi1>, vector<160x128xi32>
    %min3A_930 = arith.minsi %min3A_917, %select_n3A_929 : vector<160x128xi32>
    %get3A_931 = arith.constant 0 : index
    %get3A_932 = arith.constant 33 : index
    %get3A_933 = arith.constant 0 : index
    %get3A_934 = arith.constant 0 : index
    %get3A_935 = vector.load %arg1[%get3A_931, %get3A_932, %get3A_933, %get3A_934] : memref<1x84x160x128xf32, #tpu.memory_space<vmem>>, vector<1x1x160x128xf32>
    %get3A_936 = vector.shape_cast %get3A_935 : vector<1x1x160x128xf32> to vector<160x128xf32>
    %eq3A_937 = arith.cmpf oeq, %get3A_936, %max3A_556 : vector<160x128xf32>
    %jit3A_938 = arith.constant 29 : i32
    %jit3A_939 = arith.constant 80 : i32
    %broadcast_in_dim3A_940 = vector.broadcast %jit3A_938 : i32 to vector<160x128xi32>
    %broadcast_in_dim3A_941 = vector.broadcast %jit3A_939 : i32 to vector<160x128xi32>
    %select_n3A_942 = arith.select %eq3A_937, %broadcast_in_dim3A_940, %broadcast_in_dim3A_941 : vector<160x128xi1>, vector<160x128xi32>
    %min3A_943 = arith.minsi %min3A_930, %select_n3A_942 : vector<160x128xi32>
    %get3A_944 = arith.constant 0 : index
    %get3A_945 = arith.constant 34 : index
    %get3A_946 = arith.constant 0 : index
    %get3A_947 = arith.constant 0 : index
    %get3A_948 = vector.load %arg1[%get3A_944, %get3A_945, %get3A_946, %get3A_947] : memref<1x84x160x128xf32, #tpu.memory_space<vmem>>, vector<1x1x160x128xf32>
    %get3A_949 = vector.shape_cast %get3A_948 : vector<1x1x160x128xf32> to vector<160x128xf32>
    %eq3A_950 = arith.cmpf oeq, %get3A_949, %max3A_556 : vector<160x128xf32>
    %jit3A_951 = arith.constant 30 : i32
    %jit3A_952 = arith.constant 80 : i32
    %broadcast_in_dim3A_953 = vector.broadcast %jit3A_951 : i32 to vector<160x128xi32>
    %broadcast_in_dim3A_954 = vector.broadcast %jit3A_952 : i32 to vector<160x128xi32>
    %select_n3A_955 = arith.select %eq3A_950, %broadcast_in_dim3A_953, %broadcast_in_dim3A_954 : vector<160x128xi1>, vector<160x128xi32>
    %min3A_956 = arith.minsi %min3A_943, %select_n3A_955 : vector<160x128xi32>
    %get3A_957 = arith.constant 0 : index
    %get3A_958 = arith.constant 35 : index
    %get3A_959 = arith.constant 0 : index
    %get3A_960 = arith.constant 0 : index
    %get3A_961 = vector.load %arg1[%get3A_957, %get3A_958, %get3A_959, %get3A_960] : memref<1x84x160x128xf32, #tpu.memory_space<vmem>>, vector<1x1x160x128xf32>
    %get3A_962 = vector.shape_cast %get3A_961 : vector<1x1x160x128xf32> to vector<160x128xf32>
    %eq3A_963 = arith.cmpf oeq, %get3A_962, %max3A_556 : vector<160x128xf32>
    %jit3A_964 = arith.constant 31 : i32
    %jit3A_965 = arith.constant 80 : i32
    %broadcast_in_dim3A_966 = vector.broadcast %jit3A_964 : i32 to vector<160x128xi32>
    %broadcast_in_dim3A_967 = vector.broadcast %jit3A_965 : i32 to vector<160x128xi32>
    %select_n3A_968 = arith.select %eq3A_963, %broadcast_in_dim3A_966, %broadcast_in_dim3A_967 : vector<160x128xi1>, vector<160x128xi32>
    %min3A_969 = arith.minsi %min3A_956, %select_n3A_968 : vector<160x128xi32>
    %get3A_970 = arith.constant 0 : index
    %get3A_971 = arith.constant 36 : index
    %get3A_972 = arith.constant 0 : index
    %get3A_973 = arith.constant 0 : index
    %get3A_974 = vector.load %arg1[%get3A_970, %get3A_971, %get3A_972, %get3A_973] : memref<1x84x160x128xf32, #tpu.memory_space<vmem>>, vector<1x1x160x128xf32>
    %get3A_975 = vector.shape_cast %get3A_974 : vector<1x1x160x128xf32> to vector<160x128xf32>
    %eq3A_976 = arith.cmpf oeq, %get3A_975, %max3A_556 : vector<160x128xf32>
    %jit3A_977 = arith.constant 32 : i32
    %jit3A_978 = arith.constant 80 : i32
    %broadcast_in_dim3A_979 = vector.broadcast %jit3A_977 : i32 to vector<160x128xi32>
    %broadcast_in_dim3A_980 = vector.broadcast %jit3A_978 : i32 to vector<160x128xi32>
    %select_n3A_981 = arith.select %eq3A_976, %broadcast_in_dim3A_979, %broadcast_in_dim3A_980 : vector<160x128xi1>, vector<160x128xi32>
    %min3A_982 = arith.minsi %min3A_969, %select_n3A_981 : vector<160x128xi32>
    %get3A_983 = arith.constant 0 : index
    %get3A_984 = arith.constant 37 : index
    %get3A_985 = arith.constant 0 : index
    %get3A_986 = arith.constant 0 : index
    %get3A_987 = vector.load %arg1[%get3A_983, %get3A_984, %get3A_985, %get3A_986] : memref<1x84x160x128xf32, #tpu.memory_space<vmem>>, vector<1x1x160x128xf32>
    %get3A_988 = vector.shape_cast %get3A_987 : vector<1x1x160x128xf32> to vector<160x128xf32>
    %eq3A_989 = arith.cmpf oeq, %get3A_988, %max3A_556 : vector<160x128xf32>
    %jit3A_990 = arith.constant 33 : i32
    %jit3A_991 = arith.constant 80 : i32
    %broadcast_in_dim3A_992 = vector.broadcast %jit3A_990 : i32 to vector<160x128xi32>
    %broadcast_in_dim3A_993 = vector.broadcast %jit3A_991 : i32 to vector<160x128xi32>
    %select_n3A_994 = arith.select %eq3A_989, %broadcast_in_dim3A_992, %broadcast_in_dim3A_993 : vector<160x128xi1>, vector<160x128xi32>
    %min3A_995 = arith.minsi %min3A_982, %select_n3A_994 : vector<160x128xi32>
    %get3A_996 = arith.constant 0 : index
    %get3A_997 = arith.constant 38 : index
    %get3A_998 = arith.constant 0 : index
    %get3A_999 = arith.constant 0 : index
    %get3A_1000 = vector.load %arg1[%get3A_996, %get3A_997, %get3A_998, %get3A_999] : memref<1x84x160x128xf32, #tpu.memory_space<vmem>>, vector<1x1x160x128xf32>
    %get3A_1001 = vector.shape_cast %get3A_1000 : vector<1x1x160x128xf32> to vector<160x128xf32>
    %eq3A_1002 = arith.cmpf oeq, %get3A_1001, %max3A_556 : vector<160x128xf32>
    %jit3A_1003 = arith.constant 34 : i32
    %jit3A_1004 = arith.constant 80 : i32
    %broadcast_in_dim3A_1005 = vector.broadcast %jit3A_1003 : i32 to vector<160x128xi32>
    %broadcast_in_dim3A_1006 = vector.broadcast %jit3A_1004 : i32 to vector<160x128xi32>
    %select_n3A_1007 = arith.select %eq3A_1002, %broadcast_in_dim3A_1005, %broadcast_in_dim3A_1006 : vector<160x128xi1>, vector<160x128xi32>
    %min3A_1008 = arith.minsi %min3A_995, %select_n3A_1007 : vector<160x128xi32>
    %get3A_1009 = arith.constant 0 : index
    %get3A_1010 = arith.constant 39 : index
    %get3A_1011 = arith.constant 0 : index
    %get3A_1012 = arith.constant 0 : index
    %get3A_1013 = vector.load %arg1[%get3A_1009, %get3A_1010, %get3A_1011, %get3A_1012] : memref<1x84x160x128xf32, #tpu.memory_space<vmem>>, vector<1x1x160x128xf32>
    %get3A_1014 = vector.shape_cast %get3A_1013 : vector<1x1x160x128xf32> to vector<160x128xf32>
    %eq3A_1015 = arith.cmpf oeq, %get3A_1014, %max3A_556 : vector<160x128xf32>
    %jit3A_1016 = arith.constant 35 : i32
    %jit3A_1017 = arith.constant 80 : i32
    %broadcast_in_dim3A_1018 = vector.broadcast %jit3A_1016 : i32 to vector<160x128xi32>
    %broadcast_in_dim3A_1019 = vector.broadcast %jit3A_1017 : i32 to vector<160x128xi32>
    %select_n3A_1020 = arith.select %eq3A_1015, %broadcast_in_dim3A_1018, %broadcast_in_dim3A_1019 : vector<160x128xi1>, vector<160x128xi32>
    %min3A_1021 = arith.minsi %min3A_1008, %select_n3A_1020 : vector<160x128xi32>
    %get3A_1022 = arith.constant 0 : index
    %get3A_1023 = arith.constant 40 : index
    %get3A_1024 = arith.constant 0 : index
    %get3A_1025 = arith.constant 0 : index
    %get3A_1026 = vector.load %arg1[%get3A_1022, %get3A_1023, %get3A_1024, %get3A_1025] : memref<1x84x160x128xf32, #tpu.memory_space<vmem>>, vector<1x1x160x128xf32>
    %get3A_1027 = vector.shape_cast %get3A_1026 : vector<1x1x160x128xf32> to vector<160x128xf32>
    %eq3A_1028 = arith.cmpf oeq, %get3A_1027, %max3A_556 : vector<160x128xf32>
    %jit3A_1029 = arith.constant 36 : i32
    %jit3A_1030 = arith.constant 80 : i32
    %broadcast_in_dim3A_1031 = vector.broadcast %jit3A_1029 : i32 to vector<160x128xi32>
    %broadcast_in_dim3A_1032 = vector.broadcast %jit3A_1030 : i32 to vector<160x128xi32>
    %select_n3A_1033 = arith.select %eq3A_1028, %broadcast_in_dim3A_1031, %broadcast_in_dim3A_1032 : vector<160x128xi1>, vector<160x128xi32>
    %min3A_1034 = arith.minsi %min3A_1021, %select_n3A_1033 : vector<160x128xi32>
    %get3A_1035 = arith.constant 0 : index
    %get3A_1036 = arith.constant 41 : index
    %get3A_1037 = arith.constant 0 : index
    %get3A_1038 = arith.constant 0 : index
    %get3A_1039 = vector.load %arg1[%get3A_1035, %get3A_1036, %get3A_1037, %get3A_1038] : memref<1x84x160x128xf32, #tpu.memory_space<vmem>>, vector<1x1x160x128xf32>
    %get3A_1040 = vector.shape_cast %get3A_1039 : vector<1x1x160x128xf32> to vector<160x128xf32>
    %eq3A_1041 = arith.cmpf oeq, %get3A_1040, %max3A_556 : vector<160x128xf32>
    %jit3A_1042 = arith.constant 37 : i32
    %jit3A_1043 = arith.constant 80 : i32
    %broadcast_in_dim3A_1044 = vector.broadcast %jit3A_1042 : i32 to vector<160x128xi32>
    %broadcast_in_dim3A_1045 = vector.broadcast %jit3A_1043 : i32 to vector<160x128xi32>
    %select_n3A_1046 = arith.select %eq3A_1041, %broadcast_in_dim3A_1044, %broadcast_in_dim3A_1045 : vector<160x128xi1>, vector<160x128xi32>
    %min3A_1047 = arith.minsi %min3A_1034, %select_n3A_1046 : vector<160x128xi32>
    %get3A_1048 = arith.constant 0 : index
    %get3A_1049 = arith.constant 42 : index
    %get3A_1050 = arith.constant 0 : index
    %get3A_1051 = arith.constant 0 : index
    %get3A_1052 = vector.load %arg1[%get3A_1048, %get3A_1049, %get3A_1050, %get3A_1051] : memref<1x84x160x128xf32, #tpu.memory_space<vmem>>, vector<1x1x160x128xf32>
    %get3A_1053 = vector.shape_cast %get3A_1052 : vector<1x1x160x128xf32> to vector<160x128xf32>
    %eq3A_1054 = arith.cmpf oeq, %get3A_1053, %max3A_556 : vector<160x128xf32>
    %jit3A_1055 = arith.constant 38 : i32
    %jit3A_1056 = arith.constant 80 : i32
    %broadcast_in_dim3A_1057 = vector.broadcast %jit3A_1055 : i32 to vector<160x128xi32>
    %broadcast_in_dim3A_1058 = vector.broadcast %jit3A_1056 : i32 to vector<160x128xi32>
    %select_n3A_1059 = arith.select %eq3A_1054, %broadcast_in_dim3A_1057, %broadcast_in_dim3A_1058 : vector<160x128xi1>, vector<160x128xi32>
    %min3A_1060 = arith.minsi %min3A_1047, %select_n3A_1059 : vector<160x128xi32>
    %get3A_1061 = arith.constant 0 : index
    %get3A_1062 = arith.constant 43 : index
    %get3A_1063 = arith.constant 0 : index
    %get3A_1064 = arith.constant 0 : index
    %get3A_1065 = vector.load %arg1[%get3A_1061, %get3A_1062, %get3A_1063, %get3A_1064] : memref<1x84x160x128xf32, #tpu.memory_space<vmem>>, vector<1x1x160x128xf32>
    %get3A_1066 = vector.shape_cast %get3A_1065 : vector<1x1x160x128xf32> to vector<160x128xf32>
    %eq3A_1067 = arith.cmpf oeq, %get3A_1066, %max3A_556 : vector<160x128xf32>
    %jit3A_1068 = arith.constant 39 : i32
    %jit3A_1069 = arith.constant 80 : i32
    %broadcast_in_dim3A_1070 = vector.broadcast %jit3A_1068 : i32 to vector<160x128xi32>
    %broadcast_in_dim3A_1071 = vector.broadcast %jit3A_1069 : i32 to vector<160x128xi32>
    %select_n3A_1072 = arith.select %eq3A_1067, %broadcast_in_dim3A_1070, %broadcast_in_dim3A_1071 : vector<160x128xi1>, vector<160x128xi32>
    %min3A_1073 = arith.minsi %min3A_1060, %select_n3A_1072 : vector<160x128xi32>
    %get3A_1074 = arith.constant 0 : index
    %get3A_1075 = arith.constant 44 : index
    %get3A_1076 = arith.constant 0 : index
    %get3A_1077 = arith.constant 0 : index
    %get3A_1078 = vector.load %arg1[%get3A_1074, %get3A_1075, %get3A_1076, %get3A_1077] : memref<1x84x160x128xf32, #tpu.memory_space<vmem>>, vector<1x1x160x128xf32>
    %get3A_1079 = vector.shape_cast %get3A_1078 : vector<1x1x160x128xf32> to vector<160x128xf32>
    %eq3A_1080 = arith.cmpf oeq, %get3A_1079, %max3A_556 : vector<160x128xf32>
    %jit3A_1081 = arith.constant 40 : i32
    %jit3A_1082 = arith.constant 80 : i32
    %broadcast_in_dim3A_1083 = vector.broadcast %jit3A_1081 : i32 to vector<160x128xi32>
    %broadcast_in_dim3A_1084 = vector.broadcast %jit3A_1082 : i32 to vector<160x128xi32>
    %select_n3A_1085 = arith.select %eq3A_1080, %broadcast_in_dim3A_1083, %broadcast_in_dim3A_1084 : vector<160x128xi1>, vector<160x128xi32>
    %min3A_1086 = arith.minsi %min3A_1073, %select_n3A_1085 : vector<160x128xi32>
    %get3A_1087 = arith.constant 0 : index
    %get3A_1088 = arith.constant 45 : index
    %get3A_1089 = arith.constant 0 : index
    %get3A_1090 = arith.constant 0 : index
    %get3A_1091 = vector.load %arg1[%get3A_1087, %get3A_1088, %get3A_1089, %get3A_1090] : memref<1x84x160x128xf32, #tpu.memory_space<vmem>>, vector<1x1x160x128xf32>
    %get3A_1092 = vector.shape_cast %get3A_1091 : vector<1x1x160x128xf32> to vector<160x128xf32>
    %eq3A_1093 = arith.cmpf oeq, %get3A_1092, %max3A_556 : vector<160x128xf32>
    %jit3A_1094 = arith.constant 41 : i32
    %jit3A_1095 = arith.constant 80 : i32
    %broadcast_in_dim3A_1096 = vector.broadcast %jit3A_1094 : i32 to vector<160x128xi32>
    %broadcast_in_dim3A_1097 = vector.broadcast %jit3A_1095 : i32 to vector<160x128xi32>
    %select_n3A_1098 = arith.select %eq3A_1093, %broadcast_in_dim3A_1096, %broadcast_in_dim3A_1097 : vector<160x128xi1>, vector<160x128xi32>
    %min3A_1099 = arith.minsi %min3A_1086, %select_n3A_1098 : vector<160x128xi32>
    %get3A_1100 = arith.constant 0 : index
    %get3A_1101 = arith.constant 46 : index
    %get3A_1102 = arith.constant 0 : index
    %get3A_1103 = arith.constant 0 : index
    %get3A_1104 = vector.load %arg1[%get3A_1100, %get3A_1101, %get3A_1102, %get3A_1103] : memref<1x84x160x128xf32, #tpu.memory_space<vmem>>, vector<1x1x160x128xf32>
    %get3A_1105 = vector.shape_cast %get3A_1104 : vector<1x1x160x128xf32> to vector<160x128xf32>
    %eq3A_1106 = arith.cmpf oeq, %get3A_1105, %max3A_556 : vector<160x128xf32>
    %jit3A_1107 = arith.constant 42 : i32
    %jit3A_1108 = arith.constant 80 : i32
    %broadcast_in_dim3A_1109 = vector.broadcast %jit3A_1107 : i32 to vector<160x128xi32>
    %broadcast_in_dim3A_1110 = vector.broadcast %jit3A_1108 : i32 to vector<160x128xi32>
    %select_n3A_1111 = arith.select %eq3A_1106, %broadcast_in_dim3A_1109, %broadcast_in_dim3A_1110 : vector<160x128xi1>, vector<160x128xi32>
    %min3A_1112 = arith.minsi %min3A_1099, %select_n3A_1111 : vector<160x128xi32>
    %get3A_1113 = arith.constant 0 : index
    %get3A_1114 = arith.constant 47 : index
    %get3A_1115 = arith.constant 0 : index
    %get3A_1116 = arith.constant 0 : index
    %get3A_1117 = vector.load %arg1[%get3A_1113, %get3A_1114, %get3A_1115, %get3A_1116] : memref<1x84x160x128xf32, #tpu.memory_space<vmem>>, vector<1x1x160x128xf32>
    %get3A_1118 = vector.shape_cast %get3A_1117 : vector<1x1x160x128xf32> to vector<160x128xf32>
    %eq3A_1119 = arith.cmpf oeq, %get3A_1118, %max3A_556 : vector<160x128xf32>
    %jit3A_1120 = arith.constant 43 : i32
    %jit3A_1121 = arith.constant 80 : i32
    %broadcast_in_dim3A_1122 = vector.broadcast %jit3A_1120 : i32 to vector<160x128xi32>
    %broadcast_in_dim3A_1123 = vector.broadcast %jit3A_1121 : i32 to vector<160x128xi32>
    %select_n3A_1124 = arith.select %eq3A_1119, %broadcast_in_dim3A_1122, %broadcast_in_dim3A_1123 : vector<160x128xi1>, vector<160x128xi32>
    %min3A_1125 = arith.minsi %min3A_1112, %select_n3A_1124 : vector<160x128xi32>
    %get3A_1126 = arith.constant 0 : index
    %get3A_1127 = arith.constant 48 : index
    %get3A_1128 = arith.constant 0 : index
    %get3A_1129 = arith.constant 0 : index
    %get3A_1130 = vector.load %arg1[%get3A_1126, %get3A_1127, %get3A_1128, %get3A_1129] : memref<1x84x160x128xf32, #tpu.memory_space<vmem>>, vector<1x1x160x128xf32>
    %get3A_1131 = vector.shape_cast %get3A_1130 : vector<1x1x160x128xf32> to vector<160x128xf32>
    %eq3A_1132 = arith.cmpf oeq, %get3A_1131, %max3A_556 : vector<160x128xf32>
    %jit3A_1133 = arith.constant 44 : i32
    %jit3A_1134 = arith.constant 80 : i32
    %broadcast_in_dim3A_1135 = vector.broadcast %jit3A_1133 : i32 to vector<160x128xi32>
    %broadcast_in_dim3A_1136 = vector.broadcast %jit3A_1134 : i32 to vector<160x128xi32>
    %select_n3A_1137 = arith.select %eq3A_1132, %broadcast_in_dim3A_1135, %broadcast_in_dim3A_1136 : vector<160x128xi1>, vector<160x128xi32>
    %min3A_1138 = arith.minsi %min3A_1125, %select_n3A_1137 : vector<160x128xi32>
    %get3A_1139 = arith.constant 0 : index
    %get3A_1140 = arith.constant 49 : index
    %get3A_1141 = arith.constant 0 : index
    %get3A_1142 = arith.constant 0 : index
    %get3A_1143 = vector.load %arg1[%get3A_1139, %get3A_1140, %get3A_1141, %get3A_1142] : memref<1x84x160x128xf32, #tpu.memory_space<vmem>>, vector<1x1x160x128xf32>
    %get3A_1144 = vector.shape_cast %get3A_1143 : vector<1x1x160x128xf32> to vector<160x128xf32>
    %eq3A_1145 = arith.cmpf oeq, %get3A_1144, %max3A_556 : vector<160x128xf32>
    %jit3A_1146 = arith.constant 45 : i32
    %jit3A_1147 = arith.constant 80 : i32
    %broadcast_in_dim3A_1148 = vector.broadcast %jit3A_1146 : i32 to vector<160x128xi32>
    %broadcast_in_dim3A_1149 = vector.broadcast %jit3A_1147 : i32 to vector<160x128xi32>
    %select_n3A_1150 = arith.select %eq3A_1145, %broadcast_in_dim3A_1148, %broadcast_in_dim3A_1149 : vector<160x128xi1>, vector<160x128xi32>
    %min3A_1151 = arith.minsi %min3A_1138, %select_n3A_1150 : vector<160x128xi32>
    %get3A_1152 = arith.constant 0 : index
    %get3A_1153 = arith.constant 50 : index
    %get3A_1154 = arith.constant 0 : index
    %get3A_1155 = arith.constant 0 : index
    %get3A_1156 = vector.load %arg1[%get3A_1152, %get3A_1153, %get3A_1154, %get3A_1155] : memref<1x84x160x128xf32, #tpu.memory_space<vmem>>, vector<1x1x160x128xf32>
    %get3A_1157 = vector.shape_cast %get3A_1156 : vector<1x1x160x128xf32> to vector<160x128xf32>
    %eq3A_1158 = arith.cmpf oeq, %get3A_1157, %max3A_556 : vector<160x128xf32>
    %jit3A_1159 = arith.constant 46 : i32
    %jit3A_1160 = arith.constant 80 : i32
    %broadcast_in_dim3A_1161 = vector.broadcast %jit3A_1159 : i32 to vector<160x128xi32>
    %broadcast_in_dim3A_1162 = vector.broadcast %jit3A_1160 : i32 to vector<160x128xi32>
    %select_n3A_1163 = arith.select %eq3A_1158, %broadcast_in_dim3A_1161, %broadcast_in_dim3A_1162 : vector<160x128xi1>, vector<160x128xi32>
    %min3A_1164 = arith.minsi %min3A_1151, %select_n3A_1163 : vector<160x128xi32>
    %get3A_1165 = arith.constant 0 : index
    %get3A_1166 = arith.constant 51 : index
    %get3A_1167 = arith.constant 0 : index
    %get3A_1168 = arith.constant 0 : index
    %get3A_1169 = vector.load %arg1[%get3A_1165, %get3A_1166, %get3A_1167, %get3A_1168] : memref<1x84x160x128xf32, #tpu.memory_space<vmem>>, vector<1x1x160x128xf32>
    %get3A_1170 = vector.shape_cast %get3A_1169 : vector<1x1x160x128xf32> to vector<160x128xf32>
    %eq3A_1171 = arith.cmpf oeq, %get3A_1170, %max3A_556 : vector<160x128xf32>
    %jit3A_1172 = arith.constant 47 : i32
    %jit3A_1173 = arith.constant 80 : i32
    %broadcast_in_dim3A_1174 = vector.broadcast %jit3A_1172 : i32 to vector<160x128xi32>
    %broadcast_in_dim3A_1175 = vector.broadcast %jit3A_1173 : i32 to vector<160x128xi32>
    %select_n3A_1176 = arith.select %eq3A_1171, %broadcast_in_dim3A_1174, %broadcast_in_dim3A_1175 : vector<160x128xi1>, vector<160x128xi32>
    %min3A_1177 = arith.minsi %min3A_1164, %select_n3A_1176 : vector<160x128xi32>
    %get3A_1178 = arith.constant 0 : index
    %get3A_1179 = arith.constant 52 : index
    %get3A_1180 = arith.constant 0 : index
    %get3A_1181 = arith.constant 0 : index
    %get3A_1182 = vector.load %arg1[%get3A_1178, %get3A_1179, %get3A_1180, %get3A_1181] : memref<1x84x160x128xf32, #tpu.memory_space<vmem>>, vector<1x1x160x128xf32>
    %get3A_1183 = vector.shape_cast %get3A_1182 : vector<1x1x160x128xf32> to vector<160x128xf32>
    %eq3A_1184 = arith.cmpf oeq, %get3A_1183, %max3A_556 : vector<160x128xf32>
    %jit3A_1185 = arith.constant 48 : i32
    %jit3A_1186 = arith.constant 80 : i32
    %broadcast_in_dim3A_1187 = vector.broadcast %jit3A_1185 : i32 to vector<160x128xi32>
    %broadcast_in_dim3A_1188 = vector.broadcast %jit3A_1186 : i32 to vector<160x128xi32>
    %select_n3A_1189 = arith.select %eq3A_1184, %broadcast_in_dim3A_1187, %broadcast_in_dim3A_1188 : vector<160x128xi1>, vector<160x128xi32>
    %min3A_1190 = arith.minsi %min3A_1177, %select_n3A_1189 : vector<160x128xi32>
    %get3A_1191 = arith.constant 0 : index
    %get3A_1192 = arith.constant 53 : index
    %get3A_1193 = arith.constant 0 : index
    %get3A_1194 = arith.constant 0 : index
    %get3A_1195 = vector.load %arg1[%get3A_1191, %get3A_1192, %get3A_1193, %get3A_1194] : memref<1x84x160x128xf32, #tpu.memory_space<vmem>>, vector<1x1x160x128xf32>
    %get3A_1196 = vector.shape_cast %get3A_1195 : vector<1x1x160x128xf32> to vector<160x128xf32>
    %eq3A_1197 = arith.cmpf oeq, %get3A_1196, %max3A_556 : vector<160x128xf32>
    %jit3A_1198 = arith.constant 49 : i32
    %jit3A_1199 = arith.constant 80 : i32
    %broadcast_in_dim3A_1200 = vector.broadcast %jit3A_1198 : i32 to vector<160x128xi32>
    %broadcast_in_dim3A_1201 = vector.broadcast %jit3A_1199 : i32 to vector<160x128xi32>
    %select_n3A_1202 = arith.select %eq3A_1197, %broadcast_in_dim3A_1200, %broadcast_in_dim3A_1201 : vector<160x128xi1>, vector<160x128xi32>
    %min3A_1203 = arith.minsi %min3A_1190, %select_n3A_1202 : vector<160x128xi32>
    %get3A_1204 = arith.constant 0 : index
    %get3A_1205 = arith.constant 54 : index
    %get3A_1206 = arith.constant 0 : index
    %get3A_1207 = arith.constant 0 : index
    %get3A_1208 = vector.load %arg1[%get3A_1204, %get3A_1205, %get3A_1206, %get3A_1207] : memref<1x84x160x128xf32, #tpu.memory_space<vmem>>, vector<1x1x160x128xf32>
    %get3A_1209 = vector.shape_cast %get3A_1208 : vector<1x1x160x128xf32> to vector<160x128xf32>
    %eq3A_1210 = arith.cmpf oeq, %get3A_1209, %max3A_556 : vector<160x128xf32>
    %jit3A_1211 = arith.constant 50 : i32
    %jit3A_1212 = arith.constant 80 : i32
    %broadcast_in_dim3A_1213 = vector.broadcast %jit3A_1211 : i32 to vector<160x128xi32>
    %broadcast_in_dim3A_1214 = vector.broadcast %jit3A_1212 : i32 to vector<160x128xi32>
    %select_n3A_1215 = arith.select %eq3A_1210, %broadcast_in_dim3A_1213, %broadcast_in_dim3A_1214 : vector<160x128xi1>, vector<160x128xi32>
    %min3A_1216 = arith.minsi %min3A_1203, %select_n3A_1215 : vector<160x128xi32>
    %get3A_1217 = arith.constant 0 : index
    %get3A_1218 = arith.constant 55 : index
    %get3A_1219 = arith.constant 0 : index
    %get3A_1220 = arith.constant 0 : index
    %get3A_1221 = vector.load %arg1[%get3A_1217, %get3A_1218, %get3A_1219, %get3A_1220] : memref<1x84x160x128xf32, #tpu.memory_space<vmem>>, vector<1x1x160x128xf32>
    %get3A_1222 = vector.shape_cast %get3A_1221 : vector<1x1x160x128xf32> to vector<160x128xf32>
    %eq3A_1223 = arith.cmpf oeq, %get3A_1222, %max3A_556 : vector<160x128xf32>
    %jit3A_1224 = arith.constant 51 : i32
    %jit3A_1225 = arith.constant 80 : i32
    %broadcast_in_dim3A_1226 = vector.broadcast %jit3A_1224 : i32 to vector<160x128xi32>
    %broadcast_in_dim3A_1227 = vector.broadcast %jit3A_1225 : i32 to vector<160x128xi32>
    %select_n3A_1228 = arith.select %eq3A_1223, %broadcast_in_dim3A_1226, %broadcast_in_dim3A_1227 : vector<160x128xi1>, vector<160x128xi32>
    %min3A_1229 = arith.minsi %min3A_1216, %select_n3A_1228 : vector<160x128xi32>
    %get3A_1230 = arith.constant 0 : index
    %get3A_1231 = arith.constant 56 : index
    %get3A_1232 = arith.constant 0 : index
    %get3A_1233 = arith.constant 0 : index
    %get3A_1234 = vector.load %arg1[%get3A_1230, %get3A_1231, %get3A_1232, %get3A_1233] : memref<1x84x160x128xf32, #tpu.memory_space<vmem>>, vector<1x1x160x128xf32>
    %get3A_1235 = vector.shape_cast %get3A_1234 : vector<1x1x160x128xf32> to vector<160x128xf32>
    %eq3A_1236 = arith.cmpf oeq, %get3A_1235, %max3A_556 : vector<160x128xf32>
    %jit3A_1237 = arith.constant 52 : i32
    %jit3A_1238 = arith.constant 80 : i32
    %broadcast_in_dim3A_1239 = vector.broadcast %jit3A_1237 : i32 to vector<160x128xi32>
    %broadcast_in_dim3A_1240 = vector.broadcast %jit3A_1238 : i32 to vector<160x128xi32>
    %select_n3A_1241 = arith.select %eq3A_1236, %broadcast_in_dim3A_1239, %broadcast_in_dim3A_1240 : vector<160x128xi1>, vector<160x128xi32>
    %min3A_1242 = arith.minsi %min3A_1229, %select_n3A_1241 : vector<160x128xi32>
    %get3A_1243 = arith.constant 0 : index
    %get3A_1244 = arith.constant 57 : index
    %get3A_1245 = arith.constant 0 : index
    %get3A_1246 = arith.constant 0 : index
    %get3A_1247 = vector.load %arg1[%get3A_1243, %get3A_1244, %get3A_1245, %get3A_1246] : memref<1x84x160x128xf32, #tpu.memory_space<vmem>>, vector<1x1x160x128xf32>
    %get3A_1248 = vector.shape_cast %get3A_1247 : vector<1x1x160x128xf32> to vector<160x128xf32>
    %eq3A_1249 = arith.cmpf oeq, %get3A_1248, %max3A_556 : vector<160x128xf32>
    %jit3A_1250 = arith.constant 53 : i32
    %jit3A_1251 = arith.constant 80 : i32
    %broadcast_in_dim3A_1252 = vector.broadcast %jit3A_1250 : i32 to vector<160x128xi32>
    %broadcast_in_dim3A_1253 = vector.broadcast %jit3A_1251 : i32 to vector<160x128xi32>
    %select_n3A_1254 = arith.select %eq3A_1249, %broadcast_in_dim3A_1252, %broadcast_in_dim3A_1253 : vector<160x128xi1>, vector<160x128xi32>
    %min3A_1255 = arith.minsi %min3A_1242, %select_n3A_1254 : vector<160x128xi32>
    %get3A_1256 = arith.constant 0 : index
    %get3A_1257 = arith.constant 58 : index
    %get3A_1258 = arith.constant 0 : index
    %get3A_1259 = arith.constant 0 : index
    %get3A_1260 = vector.load %arg1[%get3A_1256, %get3A_1257, %get3A_1258, %get3A_1259] : memref<1x84x160x128xf32, #tpu.memory_space<vmem>>, vector<1x1x160x128xf32>
    %get3A_1261 = vector.shape_cast %get3A_1260 : vector<1x1x160x128xf32> to vector<160x128xf32>
    %eq3A_1262 = arith.cmpf oeq, %get3A_1261, %max3A_556 : vector<160x128xf32>
    %jit3A_1263 = arith.constant 54 : i32
    %jit3A_1264 = arith.constant 80 : i32
    %broadcast_in_dim3A_1265 = vector.broadcast %jit3A_1263 : i32 to vector<160x128xi32>
    %broadcast_in_dim3A_1266 = vector.broadcast %jit3A_1264 : i32 to vector<160x128xi32>
    %select_n3A_1267 = arith.select %eq3A_1262, %broadcast_in_dim3A_1265, %broadcast_in_dim3A_1266 : vector<160x128xi1>, vector<160x128xi32>
    %min3A_1268 = arith.minsi %min3A_1255, %select_n3A_1267 : vector<160x128xi32>
    %get3A_1269 = arith.constant 0 : index
    %get3A_1270 = arith.constant 59 : index
    %get3A_1271 = arith.constant 0 : index
    %get3A_1272 = arith.constant 0 : index
    %get3A_1273 = vector.load %arg1[%get3A_1269, %get3A_1270, %get3A_1271, %get3A_1272] : memref<1x84x160x128xf32, #tpu.memory_space<vmem>>, vector<1x1x160x128xf32>
    %get3A_1274 = vector.shape_cast %get3A_1273 : vector<1x1x160x128xf32> to vector<160x128xf32>
    %eq3A_1275 = arith.cmpf oeq, %get3A_1274, %max3A_556 : vector<160x128xf32>
    %jit3A_1276 = arith.constant 55 : i32
    %jit3A_1277 = arith.constant 80 : i32
    %broadcast_in_dim3A_1278 = vector.broadcast %jit3A_1276 : i32 to vector<160x128xi32>
    %broadcast_in_dim3A_1279 = vector.broadcast %jit3A_1277 : i32 to vector<160x128xi32>
    %select_n3A_1280 = arith.select %eq3A_1275, %broadcast_in_dim3A_1278, %broadcast_in_dim3A_1279 : vector<160x128xi1>, vector<160x128xi32>
    %min3A_1281 = arith.minsi %min3A_1268, %select_n3A_1280 : vector<160x128xi32>
    %get3A_1282 = arith.constant 0 : index
    %get3A_1283 = arith.constant 60 : index
    %get3A_1284 = arith.constant 0 : index
    %get3A_1285 = arith.constant 0 : index
    %get3A_1286 = vector.load %arg1[%get3A_1282, %get3A_1283, %get3A_1284, %get3A_1285] : memref<1x84x160x128xf32, #tpu.memory_space<vmem>>, vector<1x1x160x128xf32>
    %get3A_1287 = vector.shape_cast %get3A_1286 : vector<1x1x160x128xf32> to vector<160x128xf32>
    %eq3A_1288 = arith.cmpf oeq, %get3A_1287, %max3A_556 : vector<160x128xf32>
    %jit3A_1289 = arith.constant 56 : i32
    %jit3A_1290 = arith.constant 80 : i32
    %broadcast_in_dim3A_1291 = vector.broadcast %jit3A_1289 : i32 to vector<160x128xi32>
    %broadcast_in_dim3A_1292 = vector.broadcast %jit3A_1290 : i32 to vector<160x128xi32>
    %select_n3A_1293 = arith.select %eq3A_1288, %broadcast_in_dim3A_1291, %broadcast_in_dim3A_1292 : vector<160x128xi1>, vector<160x128xi32>
    %min3A_1294 = arith.minsi %min3A_1281, %select_n3A_1293 : vector<160x128xi32>
    %get3A_1295 = arith.constant 0 : index
    %get3A_1296 = arith.constant 61 : index
    %get3A_1297 = arith.constant 0 : index
    %get3A_1298 = arith.constant 0 : index
    %get3A_1299 = vector.load %arg1[%get3A_1295, %get3A_1296, %get3A_1297, %get3A_1298] : memref<1x84x160x128xf32, #tpu.memory_space<vmem>>, vector<1x1x160x128xf32>
    %get3A_1300 = vector.shape_cast %get3A_1299 : vector<1x1x160x128xf32> to vector<160x128xf32>
    %eq3A_1301 = arith.cmpf oeq, %get3A_1300, %max3A_556 : vector<160x128xf32>
    %jit3A_1302 = arith.constant 57 : i32
    %jit3A_1303 = arith.constant 80 : i32
    %broadcast_in_dim3A_1304 = vector.broadcast %jit3A_1302 : i32 to vector<160x128xi32>
    %broadcast_in_dim3A_1305 = vector.broadcast %jit3A_1303 : i32 to vector<160x128xi32>
    %select_n3A_1306 = arith.select %eq3A_1301, %broadcast_in_dim3A_1304, %broadcast_in_dim3A_1305 : vector<160x128xi1>, vector<160x128xi32>
    %min3A_1307 = arith.minsi %min3A_1294, %select_n3A_1306 : vector<160x128xi32>
    %get3A_1308 = arith.constant 0 : index
    %get3A_1309 = arith.constant 62 : index
    %get3A_1310 = arith.constant 0 : index
    %get3A_1311 = arith.constant 0 : index
    %get3A_1312 = vector.load %arg1[%get3A_1308, %get3A_1309, %get3A_1310, %get3A_1311] : memref<1x84x160x128xf32, #tpu.memory_space<vmem>>, vector<1x1x160x128xf32>
    %get3A_1313 = vector.shape_cast %get3A_1312 : vector<1x1x160x128xf32> to vector<160x128xf32>
    %eq3A_1314 = arith.cmpf oeq, %get3A_1313, %max3A_556 : vector<160x128xf32>
    %jit3A_1315 = arith.constant 58 : i32
    %jit3A_1316 = arith.constant 80 : i32
    %broadcast_in_dim3A_1317 = vector.broadcast %jit3A_1315 : i32 to vector<160x128xi32>
    %broadcast_in_dim3A_1318 = vector.broadcast %jit3A_1316 : i32 to vector<160x128xi32>
    %select_n3A_1319 = arith.select %eq3A_1314, %broadcast_in_dim3A_1317, %broadcast_in_dim3A_1318 : vector<160x128xi1>, vector<160x128xi32>
    %min3A_1320 = arith.minsi %min3A_1307, %select_n3A_1319 : vector<160x128xi32>
    %get3A_1321 = arith.constant 0 : index
    %get3A_1322 = arith.constant 63 : index
    %get3A_1323 = arith.constant 0 : index
    %get3A_1324 = arith.constant 0 : index
    %get3A_1325 = vector.load %arg1[%get3A_1321, %get3A_1322, %get3A_1323, %get3A_1324] : memref<1x84x160x128xf32, #tpu.memory_space<vmem>>, vector<1x1x160x128xf32>
    %get3A_1326 = vector.shape_cast %get3A_1325 : vector<1x1x160x128xf32> to vector<160x128xf32>
    %eq3A_1327 = arith.cmpf oeq, %get3A_1326, %max3A_556 : vector<160x128xf32>
    %jit3A_1328 = arith.constant 59 : i32
    %jit3A_1329 = arith.constant 80 : i32
    %broadcast_in_dim3A_1330 = vector.broadcast %jit3A_1328 : i32 to vector<160x128xi32>
    %broadcast_in_dim3A_1331 = vector.broadcast %jit3A_1329 : i32 to vector<160x128xi32>
    %select_n3A_1332 = arith.select %eq3A_1327, %broadcast_in_dim3A_1330, %broadcast_in_dim3A_1331 : vector<160x128xi1>, vector<160x128xi32>
    %min3A_1333 = arith.minsi %min3A_1320, %select_n3A_1332 : vector<160x128xi32>
    %get3A_1334 = arith.constant 0 : index
    %get3A_1335 = arith.constant 64 : index
    %get3A_1336 = arith.constant 0 : index
    %get3A_1337 = arith.constant 0 : index
    %get3A_1338 = vector.load %arg1[%get3A_1334, %get3A_1335, %get3A_1336, %get3A_1337] : memref<1x84x160x128xf32, #tpu.memory_space<vmem>>, vector<1x1x160x128xf32>
    %get3A_1339 = vector.shape_cast %get3A_1338 : vector<1x1x160x128xf32> to vector<160x128xf32>
    %eq3A_1340 = arith.cmpf oeq, %get3A_1339, %max3A_556 : vector<160x128xf32>
    %jit3A_1341 = arith.constant 60 : i32
    %jit3A_1342 = arith.constant 80 : i32
    %broadcast_in_dim3A_1343 = vector.broadcast %jit3A_1341 : i32 to vector<160x128xi32>
    %broadcast_in_dim3A_1344 = vector.broadcast %jit3A_1342 : i32 to vector<160x128xi32>
    %select_n3A_1345 = arith.select %eq3A_1340, %broadcast_in_dim3A_1343, %broadcast_in_dim3A_1344 : vector<160x128xi1>, vector<160x128xi32>
    %min3A_1346 = arith.minsi %min3A_1333, %select_n3A_1345 : vector<160x128xi32>
    %get3A_1347 = arith.constant 0 : index
    %get3A_1348 = arith.constant 65 : index
    %get3A_1349 = arith.constant 0 : index
    %get3A_1350 = arith.constant 0 : index
    %get3A_1351 = vector.load %arg1[%get3A_1347, %get3A_1348, %get3A_1349, %get3A_1350] : memref<1x84x160x128xf32, #tpu.memory_space<vmem>>, vector<1x1x160x128xf32>
    %get3A_1352 = vector.shape_cast %get3A_1351 : vector<1x1x160x128xf32> to vector<160x128xf32>
    %eq3A_1353 = arith.cmpf oeq, %get3A_1352, %max3A_556 : vector<160x128xf32>
    %jit3A_1354 = arith.constant 61 : i32
    %jit3A_1355 = arith.constant 80 : i32
    %broadcast_in_dim3A_1356 = vector.broadcast %jit3A_1354 : i32 to vector<160x128xi32>
    %broadcast_in_dim3A_1357 = vector.broadcast %jit3A_1355 : i32 to vector<160x128xi32>
    %select_n3A_1358 = arith.select %eq3A_1353, %broadcast_in_dim3A_1356, %broadcast_in_dim3A_1357 : vector<160x128xi1>, vector<160x128xi32>
    %min3A_1359 = arith.minsi %min3A_1346, %select_n3A_1358 : vector<160x128xi32>
    %get3A_1360 = arith.constant 0 : index
    %get3A_1361 = arith.constant 66 : index
    %get3A_1362 = arith.constant 0 : index
    %get3A_1363 = arith.constant 0 : index
    %get3A_1364 = vector.load %arg1[%get3A_1360, %get3A_1361, %get3A_1362, %get3A_1363] : memref<1x84x160x128xf32, #tpu.memory_space<vmem>>, vector<1x1x160x128xf32>
    %get3A_1365 = vector.shape_cast %get3A_1364 : vector<1x1x160x128xf32> to vector<160x128xf32>
    %eq3A_1366 = arith.cmpf oeq, %get3A_1365, %max3A_556 : vector<160x128xf32>
    %jit3A_1367 = arith.constant 62 : i32
    %jit3A_1368 = arith.constant 80 : i32
    %broadcast_in_dim3A_1369 = vector.broadcast %jit3A_1367 : i32 to vector<160x128xi32>
    %broadcast_in_dim3A_1370 = vector.broadcast %jit3A_1368 : i32 to vector<160x128xi32>
    %select_n3A_1371 = arith.select %eq3A_1366, %broadcast_in_dim3A_1369, %broadcast_in_dim3A_1370 : vector<160x128xi1>, vector<160x128xi32>
    %min3A_1372 = arith.minsi %min3A_1359, %select_n3A_1371 : vector<160x128xi32>
    %get3A_1373 = arith.constant 0 : index
    %get3A_1374 = arith.constant 67 : index
    %get3A_1375 = arith.constant 0 : index
    %get3A_1376 = arith.constant 0 : index
    %get3A_1377 = vector.load %arg1[%get3A_1373, %get3A_1374, %get3A_1375, %get3A_1376] : memref<1x84x160x128xf32, #tpu.memory_space<vmem>>, vector<1x1x160x128xf32>
    %get3A_1378 = vector.shape_cast %get3A_1377 : vector<1x1x160x128xf32> to vector<160x128xf32>
    %eq3A_1379 = arith.cmpf oeq, %get3A_1378, %max3A_556 : vector<160x128xf32>
    %jit3A_1380 = arith.constant 63 : i32
    %jit3A_1381 = arith.constant 80 : i32
    %broadcast_in_dim3A_1382 = vector.broadcast %jit3A_1380 : i32 to vector<160x128xi32>
    %broadcast_in_dim3A_1383 = vector.broadcast %jit3A_1381 : i32 to vector<160x128xi32>
    %select_n3A_1384 = arith.select %eq3A_1379, %broadcast_in_dim3A_1382, %broadcast_in_dim3A_1383 : vector<160x128xi1>, vector<160x128xi32>
    %min3A_1385 = arith.minsi %min3A_1372, %select_n3A_1384 : vector<160x128xi32>
    %get3A_1386 = arith.constant 0 : index
    %get3A_1387 = arith.constant 68 : index
    %get3A_1388 = arith.constant 0 : index
    %get3A_1389 = arith.constant 0 : index
    %get3A_1390 = vector.load %arg1[%get3A_1386, %get3A_1387, %get3A_1388, %get3A_1389] : memref<1x84x160x128xf32, #tpu.memory_space<vmem>>, vector<1x1x160x128xf32>
    %get3A_1391 = vector.shape_cast %get3A_1390 : vector<1x1x160x128xf32> to vector<160x128xf32>
    %eq3A_1392 = arith.cmpf oeq, %get3A_1391, %max3A_556 : vector<160x128xf32>
    %jit3A_1393 = arith.constant 64 : i32
    %jit3A_1394 = arith.constant 80 : i32
    %broadcast_in_dim3A_1395 = vector.broadcast %jit3A_1393 : i32 to vector<160x128xi32>
    %broadcast_in_dim3A_1396 = vector.broadcast %jit3A_1394 : i32 to vector<160x128xi32>
    %select_n3A_1397 = arith.select %eq3A_1392, %broadcast_in_dim3A_1395, %broadcast_in_dim3A_1396 : vector<160x128xi1>, vector<160x128xi32>
    %min3A_1398 = arith.minsi %min3A_1385, %select_n3A_1397 : vector<160x128xi32>
    %get3A_1399 = arith.constant 0 : index
    %get3A_1400 = arith.constant 69 : index
    %get3A_1401 = arith.constant 0 : index
    %get3A_1402 = arith.constant 0 : index
    %get3A_1403 = vector.load %arg1[%get3A_1399, %get3A_1400, %get3A_1401, %get3A_1402] : memref<1x84x160x128xf32, #tpu.memory_space<vmem>>, vector<1x1x160x128xf32>
    %get3A_1404 = vector.shape_cast %get3A_1403 : vector<1x1x160x128xf32> to vector<160x128xf32>
    %eq3A_1405 = arith.cmpf oeq, %get3A_1404, %max3A_556 : vector<160x128xf32>
    %jit3A_1406 = arith.constant 65 : i32
    %jit3A_1407 = arith.constant 80 : i32
    %broadcast_in_dim3A_1408 = vector.broadcast %jit3A_1406 : i32 to vector<160x128xi32>
    %broadcast_in_dim3A_1409 = vector.broadcast %jit3A_1407 : i32 to vector<160x128xi32>
    %select_n3A_1410 = arith.select %eq3A_1405, %broadcast_in_dim3A_1408, %broadcast_in_dim3A_1409 : vector<160x128xi1>, vector<160x128xi32>
    %min3A_1411 = arith.minsi %min3A_1398, %select_n3A_1410 : vector<160x128xi32>
    %get3A_1412 = arith.constant 0 : index
    %get3A_1413 = arith.constant 70 : index
    %get3A_1414 = arith.constant 0 : index
    %get3A_1415 = arith.constant 0 : index
    %get3A_1416 = vector.load %arg1[%get3A_1412, %get3A_1413, %get3A_1414, %get3A_1415] : memref<1x84x160x128xf32, #tpu.memory_space<vmem>>, vector<1x1x160x128xf32>
    %get3A_1417 = vector.shape_cast %get3A_1416 : vector<1x1x160x128xf32> to vector<160x128xf32>
    %eq3A_1418 = arith.cmpf oeq, %get3A_1417, %max3A_556 : vector<160x128xf32>
    %jit3A_1419 = arith.constant 66 : i32
    %jit3A_1420 = arith.constant 80 : i32
    %broadcast_in_dim3A_1421 = vector.broadcast %jit3A_1419 : i32 to vector<160x128xi32>
    %broadcast_in_dim3A_1422 = vector.broadcast %jit3A_1420 : i32 to vector<160x128xi32>
    %select_n3A_1423 = arith.select %eq3A_1418, %broadcast_in_dim3A_1421, %broadcast_in_dim3A_1422 : vector<160x128xi1>, vector<160x128xi32>
    %min3A_1424 = arith.minsi %min3A_1411, %select_n3A_1423 : vector<160x128xi32>
    %get3A_1425 = arith.constant 0 : index
    %get3A_1426 = arith.constant 71 : index
    %get3A_1427 = arith.constant 0 : index
    %get3A_1428 = arith.constant 0 : index
    %get3A_1429 = vector.load %arg1[%get3A_1425, %get3A_1426, %get3A_1427, %get3A_1428] : memref<1x84x160x128xf32, #tpu.memory_space<vmem>>, vector<1x1x160x128xf32>
    %get3A_1430 = vector.shape_cast %get3A_1429 : vector<1x1x160x128xf32> to vector<160x128xf32>
    %eq3A_1431 = arith.cmpf oeq, %get3A_1430, %max3A_556 : vector<160x128xf32>
    %jit3A_1432 = arith.constant 67 : i32
    %jit3A_1433 = arith.constant 80 : i32
    %broadcast_in_dim3A_1434 = vector.broadcast %jit3A_1432 : i32 to vector<160x128xi32>
    %broadcast_in_dim3A_1435 = vector.broadcast %jit3A_1433 : i32 to vector<160x128xi32>
    %select_n3A_1436 = arith.select %eq3A_1431, %broadcast_in_dim3A_1434, %broadcast_in_dim3A_1435 : vector<160x128xi1>, vector<160x128xi32>
    %min3A_1437 = arith.minsi %min3A_1424, %select_n3A_1436 : vector<160x128xi32>
    %get3A_1438 = arith.constant 0 : index
    %get3A_1439 = arith.constant 72 : index
    %get3A_1440 = arith.constant 0 : index
    %get3A_1441 = arith.constant 0 : index
    %get3A_1442 = vector.load %arg1[%get3A_1438, %get3A_1439, %get3A_1440, %get3A_1441] : memref<1x84x160x128xf32, #tpu.memory_space<vmem>>, vector<1x1x160x128xf32>
    %get3A_1443 = vector.shape_cast %get3A_1442 : vector<1x1x160x128xf32> to vector<160x128xf32>
    %eq3A_1444 = arith.cmpf oeq, %get3A_1443, %max3A_556 : vector<160x128xf32>
    %jit3A_1445 = arith.constant 68 : i32
    %jit3A_1446 = arith.constant 80 : i32
    %broadcast_in_dim3A_1447 = vector.broadcast %jit3A_1445 : i32 to vector<160x128xi32>
    %broadcast_in_dim3A_1448 = vector.broadcast %jit3A_1446 : i32 to vector<160x128xi32>
    %select_n3A_1449 = arith.select %eq3A_1444, %broadcast_in_dim3A_1447, %broadcast_in_dim3A_1448 : vector<160x128xi1>, vector<160x128xi32>
    %min3A_1450 = arith.minsi %min3A_1437, %select_n3A_1449 : vector<160x128xi32>
    %get3A_1451 = arith.constant 0 : index
    %get3A_1452 = arith.constant 73 : index
    %get3A_1453 = arith.constant 0 : index
    %get3A_1454 = arith.constant 0 : index
    %get3A_1455 = vector.load %arg1[%get3A_1451, %get3A_1452, %get3A_1453, %get3A_1454] : memref<1x84x160x128xf32, #tpu.memory_space<vmem>>, vector<1x1x160x128xf32>
    %get3A_1456 = vector.shape_cast %get3A_1455 : vector<1x1x160x128xf32> to vector<160x128xf32>
    %eq3A_1457 = arith.cmpf oeq, %get3A_1456, %max3A_556 : vector<160x128xf32>
    %jit3A_1458 = arith.constant 69 : i32
    %jit3A_1459 = arith.constant 80 : i32
    %broadcast_in_dim3A_1460 = vector.broadcast %jit3A_1458 : i32 to vector<160x128xi32>
    %broadcast_in_dim3A_1461 = vector.broadcast %jit3A_1459 : i32 to vector<160x128xi32>
    %select_n3A_1462 = arith.select %eq3A_1457, %broadcast_in_dim3A_1460, %broadcast_in_dim3A_1461 : vector<160x128xi1>, vector<160x128xi32>
    %min3A_1463 = arith.minsi %min3A_1450, %select_n3A_1462 : vector<160x128xi32>
    %get3A_1464 = arith.constant 0 : index
    %get3A_1465 = arith.constant 74 : index
    %get3A_1466 = arith.constant 0 : index
    %get3A_1467 = arith.constant 0 : index
    %get3A_1468 = vector.load %arg1[%get3A_1464, %get3A_1465, %get3A_1466, %get3A_1467] : memref<1x84x160x128xf32, #tpu.memory_space<vmem>>, vector<1x1x160x128xf32>
    %get3A_1469 = vector.shape_cast %get3A_1468 : vector<1x1x160x128xf32> to vector<160x128xf32>
    %eq3A_1470 = arith.cmpf oeq, %get3A_1469, %max3A_556 : vector<160x128xf32>
    %jit3A_1471 = arith.constant 70 : i32
    %jit3A_1472 = arith.constant 80 : i32
    %broadcast_in_dim3A_1473 = vector.broadcast %jit3A_1471 : i32 to vector<160x128xi32>
    %broadcast_in_dim3A_1474 = vector.broadcast %jit3A_1472 : i32 to vector<160x128xi32>
    %select_n3A_1475 = arith.select %eq3A_1470, %broadcast_in_dim3A_1473, %broadcast_in_dim3A_1474 : vector<160x128xi1>, vector<160x128xi32>
    %min3A_1476 = arith.minsi %min3A_1463, %select_n3A_1475 : vector<160x128xi32>
    %get3A_1477 = arith.constant 0 : index
    %get3A_1478 = arith.constant 75 : index
    %get3A_1479 = arith.constant 0 : index
    %get3A_1480 = arith.constant 0 : index
    %get3A_1481 = vector.load %arg1[%get3A_1477, %get3A_1478, %get3A_1479, %get3A_1480] : memref<1x84x160x128xf32, #tpu.memory_space<vmem>>, vector<1x1x160x128xf32>
    %get3A_1482 = vector.shape_cast %get3A_1481 : vector<1x1x160x128xf32> to vector<160x128xf32>
    %eq3A_1483 = arith.cmpf oeq, %get3A_1482, %max3A_556 : vector<160x128xf32>
    %jit3A_1484 = arith.constant 71 : i32
    %jit3A_1485 = arith.constant 80 : i32
    %broadcast_in_dim3A_1486 = vector.broadcast %jit3A_1484 : i32 to vector<160x128xi32>
    %broadcast_in_dim3A_1487 = vector.broadcast %jit3A_1485 : i32 to vector<160x128xi32>
    %select_n3A_1488 = arith.select %eq3A_1483, %broadcast_in_dim3A_1486, %broadcast_in_dim3A_1487 : vector<160x128xi1>, vector<160x128xi32>
    %min3A_1489 = arith.minsi %min3A_1476, %select_n3A_1488 : vector<160x128xi32>
    %get3A_1490 = arith.constant 0 : index
    %get3A_1491 = arith.constant 76 : index
    %get3A_1492 = arith.constant 0 : index
    %get3A_1493 = arith.constant 0 : index
    %get3A_1494 = vector.load %arg1[%get3A_1490, %get3A_1491, %get3A_1492, %get3A_1493] : memref<1x84x160x128xf32, #tpu.memory_space<vmem>>, vector<1x1x160x128xf32>
    %get3A_1495 = vector.shape_cast %get3A_1494 : vector<1x1x160x128xf32> to vector<160x128xf32>
    %eq3A_1496 = arith.cmpf oeq, %get3A_1495, %max3A_556 : vector<160x128xf32>
    %jit3A_1497 = arith.constant 72 : i32
    %jit3A_1498 = arith.constant 80 : i32
    %broadcast_in_dim3A_1499 = vector.broadcast %jit3A_1497 : i32 to vector<160x128xi32>
    %broadcast_in_dim3A_1500 = vector.broadcast %jit3A_1498 : i32 to vector<160x128xi32>
    %select_n3A_1501 = arith.select %eq3A_1496, %broadcast_in_dim3A_1499, %broadcast_in_dim3A_1500 : vector<160x128xi1>, vector<160x128xi32>
    %min3A_1502 = arith.minsi %min3A_1489, %select_n3A_1501 : vector<160x128xi32>
    %get3A_1503 = arith.constant 0 : index
    %get3A_1504 = arith.constant 77 : index
    %get3A_1505 = arith.constant 0 : index
    %get3A_1506 = arith.constant 0 : index
    %get3A_1507 = vector.load %arg1[%get3A_1503, %get3A_1504, %get3A_1505, %get3A_1506] : memref<1x84x160x128xf32, #tpu.memory_space<vmem>>, vector<1x1x160x128xf32>
    %get3A_1508 = vector.shape_cast %get3A_1507 : vector<1x1x160x128xf32> to vector<160x128xf32>
    %eq3A_1509 = arith.cmpf oeq, %get3A_1508, %max3A_556 : vector<160x128xf32>
    %jit3A_1510 = arith.constant 73 : i32
    %jit3A_1511 = arith.constant 80 : i32
    %broadcast_in_dim3A_1512 = vector.broadcast %jit3A_1510 : i32 to vector<160x128xi32>
    %broadcast_in_dim3A_1513 = vector.broadcast %jit3A_1511 : i32 to vector<160x128xi32>
    %select_n3A_1514 = arith.select %eq3A_1509, %broadcast_in_dim3A_1512, %broadcast_in_dim3A_1513 : vector<160x128xi1>, vector<160x128xi32>
    %min3A_1515 = arith.minsi %min3A_1502, %select_n3A_1514 : vector<160x128xi32>
    %get3A_1516 = arith.constant 0 : index
    %get3A_1517 = arith.constant 78 : index
    %get3A_1518 = arith.constant 0 : index
    %get3A_1519 = arith.constant 0 : index
    %get3A_1520 = vector.load %arg1[%get3A_1516, %get3A_1517, %get3A_1518, %get3A_1519] : memref<1x84x160x128xf32, #tpu.memory_space<vmem>>, vector<1x1x160x128xf32>
    %get3A_1521 = vector.shape_cast %get3A_1520 : vector<1x1x160x128xf32> to vector<160x128xf32>
    %eq3A_1522 = arith.cmpf oeq, %get3A_1521, %max3A_556 : vector<160x128xf32>
    %jit3A_1523 = arith.constant 74 : i32
    %jit3A_1524 = arith.constant 80 : i32
    %broadcast_in_dim3A_1525 = vector.broadcast %jit3A_1523 : i32 to vector<160x128xi32>
    %broadcast_in_dim3A_1526 = vector.broadcast %jit3A_1524 : i32 to vector<160x128xi32>
    %select_n3A_1527 = arith.select %eq3A_1522, %broadcast_in_dim3A_1525, %broadcast_in_dim3A_1526 : vector<160x128xi1>, vector<160x128xi32>
    %min3A_1528 = arith.minsi %min3A_1515, %select_n3A_1527 : vector<160x128xi32>
    %get3A_1529 = arith.constant 0 : index
    %get3A_1530 = arith.constant 79 : index
    %get3A_1531 = arith.constant 0 : index
    %get3A_1532 = arith.constant 0 : index
    %get3A_1533 = vector.load %arg1[%get3A_1529, %get3A_1530, %get3A_1531, %get3A_1532] : memref<1x84x160x128xf32, #tpu.memory_space<vmem>>, vector<1x1x160x128xf32>
    %get3A_1534 = vector.shape_cast %get3A_1533 : vector<1x1x160x128xf32> to vector<160x128xf32>
    %eq3A_1535 = arith.cmpf oeq, %get3A_1534, %max3A_556 : vector<160x128xf32>
    %jit3A_1536 = arith.constant 75 : i32
    %jit3A_1537 = arith.constant 80 : i32
    %broadcast_in_dim3A_1538 = vector.broadcast %jit3A_1536 : i32 to vector<160x128xi32>
    %broadcast_in_dim3A_1539 = vector.broadcast %jit3A_1537 : i32 to vector<160x128xi32>
    %select_n3A_1540 = arith.select %eq3A_1535, %broadcast_in_dim3A_1538, %broadcast_in_dim3A_1539 : vector<160x128xi1>, vector<160x128xi32>
    %min3A_1541 = arith.minsi %min3A_1528, %select_n3A_1540 : vector<160x128xi32>
    %get3A_1542 = arith.constant 0 : index
    %get3A_1543 = arith.constant 80 : index
    %get3A_1544 = arith.constant 0 : index
    %get3A_1545 = arith.constant 0 : index
    %get3A_1546 = vector.load %arg1[%get3A_1542, %get3A_1543, %get3A_1544, %get3A_1545] : memref<1x84x160x128xf32, #tpu.memory_space<vmem>>, vector<1x1x160x128xf32>
    %get3A_1547 = vector.shape_cast %get3A_1546 : vector<1x1x160x128xf32> to vector<160x128xf32>
    %eq3A_1548 = arith.cmpf oeq, %get3A_1547, %max3A_556 : vector<160x128xf32>
    %jit3A_1549 = arith.constant 76 : i32
    %jit3A_1550 = arith.constant 80 : i32
    %broadcast_in_dim3A_1551 = vector.broadcast %jit3A_1549 : i32 to vector<160x128xi32>
    %broadcast_in_dim3A_1552 = vector.broadcast %jit3A_1550 : i32 to vector<160x128xi32>
    %select_n3A_1553 = arith.select %eq3A_1548, %broadcast_in_dim3A_1551, %broadcast_in_dim3A_1552 : vector<160x128xi1>, vector<160x128xi32>
    %min3A_1554 = arith.minsi %min3A_1541, %select_n3A_1553 : vector<160x128xi32>
    %get3A_1555 = arith.constant 0 : index
    %get3A_1556 = arith.constant 81 : index
    %get3A_1557 = arith.constant 0 : index
    %get3A_1558 = arith.constant 0 : index
    %get3A_1559 = vector.load %arg1[%get3A_1555, %get3A_1556, %get3A_1557, %get3A_1558] : memref<1x84x160x128xf32, #tpu.memory_space<vmem>>, vector<1x1x160x128xf32>
    %get3A_1560 = vector.shape_cast %get3A_1559 : vector<1x1x160x128xf32> to vector<160x128xf32>
    %eq3A_1561 = arith.cmpf oeq, %get3A_1560, %max3A_556 : vector<160x128xf32>
    %jit3A_1562 = arith.constant 77 : i32
    %jit3A_1563 = arith.constant 80 : i32
    %broadcast_in_dim3A_1564 = vector.broadcast %jit3A_1562 : i32 to vector<160x128xi32>
    %broadcast_in_dim3A_1565 = vector.broadcast %jit3A_1563 : i32 to vector<160x128xi32>
    %select_n3A_1566 = arith.select %eq3A_1561, %broadcast_in_dim3A_1564, %broadcast_in_dim3A_1565 : vector<160x128xi1>, vector<160x128xi32>
    %min3A_1567 = arith.minsi %min3A_1554, %select_n3A_1566 : vector<160x128xi32>
    %get3A_1568 = arith.constant 0 : index
    %get3A_1569 = arith.constant 82 : index
    %get3A_1570 = arith.constant 0 : index
    %get3A_1571 = arith.constant 0 : index
    %get3A_1572 = vector.load %arg1[%get3A_1568, %get3A_1569, %get3A_1570, %get3A_1571] : memref<1x84x160x128xf32, #tpu.memory_space<vmem>>, vector<1x1x160x128xf32>
    %get3A_1573 = vector.shape_cast %get3A_1572 : vector<1x1x160x128xf32> to vector<160x128xf32>
    %eq3A_1574 = arith.cmpf oeq, %get3A_1573, %max3A_556 : vector<160x128xf32>
    %jit3A_1575 = arith.constant 78 : i32
    %jit3A_1576 = arith.constant 80 : i32
    %broadcast_in_dim3A_1577 = vector.broadcast %jit3A_1575 : i32 to vector<160x128xi32>
    %broadcast_in_dim3A_1578 = vector.broadcast %jit3A_1576 : i32 to vector<160x128xi32>
    %select_n3A_1579 = arith.select %eq3A_1574, %broadcast_in_dim3A_1577, %broadcast_in_dim3A_1578 : vector<160x128xi1>, vector<160x128xi32>
    %min3A_1580 = arith.minsi %min3A_1567, %select_n3A_1579 : vector<160x128xi32>
    %get3A_1581 = arith.constant 0 : index
    %get3A_1582 = arith.constant 83 : index
    %get3A_1583 = arith.constant 0 : index
    %get3A_1584 = arith.constant 0 : index
    %get3A_1585 = vector.load %arg1[%get3A_1581, %get3A_1582, %get3A_1583, %get3A_1584] : memref<1x84x160x128xf32, #tpu.memory_space<vmem>>, vector<1x1x160x128xf32>
    %get3A_1586 = vector.shape_cast %get3A_1585 : vector<1x1x160x128xf32> to vector<160x128xf32>
    %eq3A_1587 = arith.cmpf oeq, %get3A_1586, %max3A_556 : vector<160x128xf32>
    %jit3A_1588 = arith.constant 79 : i32
    %jit3A_1589 = arith.constant 80 : i32
    %broadcast_in_dim3A_1590 = vector.broadcast %jit3A_1588 : i32 to vector<160x128xi32>
    %broadcast_in_dim3A_1591 = vector.broadcast %jit3A_1589 : i32 to vector<160x128xi32>
    %select_n3A_1592 = arith.select %eq3A_1587, %broadcast_in_dim3A_1590, %broadcast_in_dim3A_1591 : vector<160x128xi1>, vector<160x128xi32>
    %min3A_1593 = arith.minsi %min3A_1580, %select_n3A_1592 : vector<160x128xi32>
    %convert_element_type3A = arith.sitofp %min3A_1593 : vector<160x128xi32> to vector<160x128xf32>
    %get3A_1594 = arith.constant 0 : index
    %get3A_1595 = arith.constant 0 : index
    %get3A_1596 = arith.constant 0 : index
    %get3A_1597 = arith.constant 0 : index
    %get3A_1598 = vector.load %arg1[%get3A_1594, %get3A_1595, %get3A_1596, %get3A_1597] : memref<1x84x160x128xf32, #tpu.memory_space<vmem>>, vector<1x1x160x128xf32>
    %get3A_1599 = vector.shape_cast %get3A_1598 : vector<1x1x160x128xf32> to vector<160x128xf32>
    %get3A_1600 = arith.constant 0 : index
    %get3A_1601 = arith.constant 1 : index
    %get3A_1602 = arith.constant 0 : index
    %get3A_1603 = arith.constant 0 : index
    %get3A_1604 = vector.load %arg1[%get3A_1600, %get3A_1601, %get3A_1602, %get3A_1603] : memref<1x84x160x128xf32, #tpu.memory_space<vmem>>, vector<1x1x160x128xf32>
    %get3A_1605 = vector.shape_cast %get3A_1604 : vector<1x1x160x128xf32> to vector<160x128xf32>
    %get3A_1606 = arith.constant 0 : index
    %get3A_1607 = arith.constant 2 : index
    %get3A_1608 = arith.constant 0 : index
    %get3A_1609 = arith.constant 0 : index
    %get3A_1610 = vector.load %arg1[%get3A_1606, %get3A_1607, %get3A_1608, %get3A_1609] : memref<1x84x160x128xf32, #tpu.memory_space<vmem>>, vector<1x1x160x128xf32>
    %get3A_1611 = vector.shape_cast %get3A_1610 : vector<1x1x160x128xf32> to vector<160x128xf32>
    %div3A = arith.constant 2.000000e+00 : f32
    %div3A_1612 = vector.broadcast %div3A : f32 to vector<160x128xf32>
    %div3A_1613 = arith.divf %get3A_1611, %div3A_1612 : vector<160x128xf32>
    %get3A_1614 = arith.constant 0 : index
    %get3A_1615 = arith.constant 3 : index
    %get3A_1616 = arith.constant 0 : index
    %get3A_1617 = arith.constant 0 : index
    %get3A_1618 = vector.load %arg1[%get3A_1614, %get3A_1615, %get3A_1616, %get3A_1617] : memref<1x84x160x128xf32, #tpu.memory_space<vmem>>, vector<1x1x160x128xf32>
    %get3A_1619 = vector.shape_cast %get3A_1618 : vector<1x1x160x128xf32> to vector<160x128xf32>
    %div3A_1620 = arith.constant 2.000000e+00 : f32
    %div3A_1621 = vector.broadcast %div3A_1620 : f32 to vector<160x128xf32>
    %div3A_1622 = arith.divf %get3A_1619, %div3A_1621 : vector<160x128xf32>
    %sub3A = arith.subf %get3A_1599, %div3A_1613 : vector<160x128xf32>
    %sub3A_1623 = arith.subf %get3A_1605, %div3A_1622 : vector<160x128xf32>
    %add3A = arith.addf %get3A_1599, %div3A_1613 : vector<160x128xf32>
    %add3A_1624 = arith.addf %get3A_1605, %div3A_1622 : vector<160x128xf32>
    %div3A_1625 = arith.constant 6.400000e+02 : f32
    %div3A_1626 = vector.broadcast %div3A_1625 : f32 to vector<160x128xf32>
    %div3A_1627 = arith.divf %sub3A, %div3A_1626 : vector<160x128xf32>
    %add3A_1628 = arith.addf %div3A_1627, %convert_element_type3A : vector<160x128xf32>
    %div3A_1629 = arith.constant 6.400000e+02 : f32
    %div3A_1630 = vector.broadcast %div3A_1629 : f32 to vector<160x128xf32>
    %div3A_1631 = arith.divf %sub3A_1623, %div3A_1630 : vector<160x128xf32>
    %add3A_1632 = arith.addf %div3A_1631, %convert_element_type3A : vector<160x128xf32>
    %div3A_1633 = arith.constant 6.400000e+02 : f32
    %div3A_1634 = vector.broadcast %div3A_1633 : f32 to vector<160x128xf32>
    %div3A_1635 = arith.divf %add3A, %div3A_1634 : vector<160x128xf32>
    %add3A_1636 = arith.addf %div3A_1635, %convert_element_type3A : vector<160x128xf32>
    %div3A_1637 = arith.constant 6.400000e+02 : f32
    %div3A_1638 = vector.broadcast %div3A_1637 : f32 to vector<160x128xf32>
    %div3A_1639 = arith.divf %add3A_1624, %div3A_1638 : vector<160x128xf32>
    %add3A_1640 = arith.addf %div3A_1639, %convert_element_type3A : vector<160x128xf32>
    %sub3A_1641 = arith.subf %add3A_1636, %add3A_1628 : vector<160x128xf32>
    %max3A_1642 = arith.constant 0.000000e+00 : f32
    %max3A_1643 = vector.broadcast %max3A_1642 : f32 to vector<160x128xf32>
    %max3A_1644 = arith.maximumf %sub3A_1641, %max3A_1643 : vector<160x128xf32>
    %sub3A_1645 = arith.subf %add3A_1640, %add3A_1632 : vector<160x128xf32>
    %max3A_1646 = arith.constant 0.000000e+00 : f32
    %max3A_1647 = vector.broadcast %max3A_1646 : f32 to vector<160x128xf32>
    %max3A_1648 = arith.maximumf %sub3A_1645, %max3A_1647 : vector<160x128xf32>
    %mul3A = arith.mulf %max3A_1644, %max3A_1648 : vector<160x128xf32>
    %gt3A = arith.constant 2.500000e-01 : f32
    %gt3A_1649 = vector.broadcast %gt3A : f32 to vector<160x128xf32>
    %gt3A_1650 = arith.cmpf ogt, %max3A_556, %gt3A_1649 : vector<160x128xf32>
    %jit3A_1651 = arith.constant 0xFF800000 : f32
    %broadcast_in_dim3A_1652 = vector.broadcast %jit3A_1651 : f32 to vector<160x128xf32>
    %select_n3A_1653 = arith.select %gt3A_1650, %max3A_556, %broadcast_in_dim3A_1652 : vector<160x128xi1>, vector<160x128xf32>
    %swap3A = arith.constant 0 : index
    %swap3A_1654 = arith.constant 0 : index
    %swap3A_1655 = arith.constant 0 : index
    %swap3A_1656 = arith.constant 0 : index
    %swap3A_1657 = vector.load %arg2[%swap3A, %swap3A_1654, %swap3A_1655, %swap3A_1656] : memref<1x11x160x128xf32, #tpu.memory_space<vmem>>, vector<1x1x160x128xf32>
    %swap3A_1658 = vector.shape_cast %swap3A_1657 : vector<1x1x160x128xf32> to vector<160x128xf32>
    %swap3A_1659 = vector.shape_cast %select_n3A_1653 : vector<160x128xf32> to vector<1x1x160x128xf32>
    tpu.vector_store %arg2[%swap3A, %swap3A_1654, %swap3A_1655, %swap3A_1656], %swap3A_1659 {strides = array<i32>} : memref<1x11x160x128xf32, #tpu.memory_space<vmem>>, vector<1x1x160x128xf32>,
    %swap3A_1660 = arith.constant 0 : index
    %swap3A_1661 = arith.constant 1 : index
    %swap3A_1662 = arith.constant 0 : index
    %swap3A_1663 = arith.constant 0 : index
    %swap3A_1664 = vector.load %arg2[%swap3A_1660, %swap3A_1661, %swap3A_1662, %swap3A_1663] : memref<1x11x160x128xf32, #tpu.memory_space<vmem>>, vector<1x1x160x128xf32>
    %swap3A_1665 = vector.shape_cast %swap3A_1664 : vector<1x1x160x128xf32> to vector<160x128xf32>
    %swap3A_1666 = vector.shape_cast %sub3A : vector<160x128xf32> to vector<1x1x160x128xf32>
    tpu.vector_store %arg2[%swap3A_1660, %swap3A_1661, %swap3A_1662, %swap3A_1663], %swap3A_1666 {strides = array<i32>} : memref<1x11x160x128xf32, #tpu.memory_space<vmem>>, vector<1x1x160x128xf32>,
    %swap3A_1667 = arith.constant 0 : index
    %swap3A_1668 = arith.constant 2 : index
    %swap3A_1669 = arith.constant 0 : index
    %swap3A_1670 = arith.constant 0 : index
    %swap3A_1671 = vector.load %arg2[%swap3A_1667, %swap3A_1668, %swap3A_1669, %swap3A_1670] : memref<1x11x160x128xf32, #tpu.memory_space<vmem>>, vector<1x1x160x128xf32>
    %swap3A_1672 = vector.shape_cast %swap3A_1671 : vector<1x1x160x128xf32> to vector<160x128xf32>
    %swap3A_1673 = vector.shape_cast %sub3A_1623 : vector<160x128xf32> to vector<1x1x160x128xf32>
    tpu.vector_store %arg2[%swap3A_1667, %swap3A_1668, %swap3A_1669, %swap3A_1670], %swap3A_1673 {strides = array<i32>} : memref<1x11x160x128xf32, #tpu.memory_space<vmem>>, vector<1x1x160x128xf32>,
    %swap3A_1674 = arith.constant 0 : index
    %swap3A_1675 = arith.constant 3 : index
    %swap3A_1676 = arith.constant 0 : index
    %swap3A_1677 = arith.constant 0 : index
    %swap3A_1678 = vector.load %arg2[%swap3A_1674, %swap3A_1675, %swap3A_1676, %swap3A_1677] : memref<1x11x160x128xf32, #tpu.memory_space<vmem>>, vector<1x1x160x128xf32>
    %swap3A_1679 = vector.shape_cast %swap3A_1678 : vector<1x1x160x128xf32> to vector<160x128xf32>
    %swap3A_1680 = vector.shape_cast %add3A : vector<160x128xf32> to vector<1x1x160x128xf32>
    tpu.vector_store %arg2[%swap3A_1674, %swap3A_1675, %swap3A_1676, %swap3A_1677], %swap3A_1680 {strides = array<i32>} : memref<1x11x160x128xf32, #tpu.memory_space<vmem>>, vector<1x1x160x128xf32>,
    %swap3A_1681 = arith.constant 0 : index
    %swap3A_1682 = arith.constant 4 : index
    %swap3A_1683 = arith.constant 0 : index
    %swap3A_1684 = arith.constant 0 : index
    %swap3A_1685 = vector.load %arg2[%swap3A_1681, %swap3A_1682, %swap3A_1683, %swap3A_1684] : memref<1x11x160x128xf32, #tpu.memory_space<vmem>>, vector<1x1x160x128xf32>
    %swap3A_1686 = vector.shape_cast %swap3A_1685 : vector<1x1x160x128xf32> to vector<160x128xf32>
    %swap3A_1687 = vector.shape_cast %add3A_1624 : vector<160x128xf32> to vector<1x1x160x128xf32>
    tpu.vector_store %arg2[%swap3A_1681, %swap3A_1682, %swap3A_1683, %swap3A_1684], %swap3A_1687 {strides = array<i32>} : memref<1x11x160x128xf32, #tpu.memory_space<vmem>>, vector<1x1x160x128xf32>,
    %swap3A_1688 = arith.constant 0 : index
    %swap3A_1689 = arith.constant 5 : index
    %swap3A_1690 = arith.constant 0 : index
    %swap3A_1691 = arith.constant 0 : index
    %swap3A_1692 = vector.load %arg2[%swap3A_1688, %swap3A_1689, %swap3A_1690, %swap3A_1691] : memref<1x11x160x128xf32, #tpu.memory_space<vmem>>, vector<1x1x160x128xf32>
    %swap3A_1693 = vector.shape_cast %swap3A_1692 : vector<1x1x160x128xf32> to vector<160x128xf32>
    %swap3A_1694 = vector.shape_cast %add3A_1628 : vector<160x128xf32> to vector<1x1x160x128xf32>
    tpu.vector_store %arg2[%swap3A_1688, %swap3A_1689, %swap3A_1690, %swap3A_1691], %swap3A_1694 {strides = array<i32>} : memref<1x11x160x128xf32, #tpu.memory_space<vmem>>, vector<1x1x160x128xf32>,
    %swap3A_1695 = arith.constant 0 : index
    %swap3A_1696 = arith.constant 6 : index
    %swap3A_1697 = arith.constant 0 : index
    %swap3A_1698 = arith.constant 0 : index
    %swap3A_1699 = vector.load %arg2[%swap3A_1695, %swap3A_1696, %swap3A_1697, %swap3A_1698] : memref<1x11x160x128xf32, #tpu.memory_space<vmem>>, vector<1x1x160x128xf32>
    %swap3A_1700 = vector.shape_cast %swap3A_1699 : vector<1x1x160x128xf32> to vector<160x128xf32>
    %swap3A_1701 = vector.shape_cast %add3A_1632 : vector<160x128xf32> to vector<1x1x160x128xf32>
    tpu.vector_store %arg2[%swap3A_1695, %swap3A_1696, %swap3A_1697, %swap3A_1698], %swap3A_1701 {strides = array<i32>} : memref<1x11x160x128xf32, #tpu.memory_space<vmem>>, vector<1x1x160x128xf32>,
    %swap3A_1702 = arith.constant 0 : index
    %swap3A_1703 = arith.constant 7 : index
    %swap3A_1704 = arith.constant 0 : index
    %swap3A_1705 = arith.constant 0 : index
    %swap3A_1706 = vector.load %arg2[%swap3A_1702, %swap3A_1703, %swap3A_1704, %swap3A_1705] : memref<1x11x160x128xf32, #tpu.memory_space<vmem>>, vector<1x1x160x128xf32>
    %swap3A_1707 = vector.shape_cast %swap3A_1706 : vector<1x1x160x128xf32> to vector<160x128xf32>
    %swap3A_1708 = vector.shape_cast %add3A_1636 : vector<160x128xf32> to vector<1x1x160x128xf32>
    tpu.vector_store %arg2[%swap3A_1702, %swap3A_1703, %swap3A_1704, %swap3A_1705], %swap3A_1708 {strides = array<i32>} : memref<1x11x160x128xf32, #tpu.memory_space<vmem>>, vector<1x1x160x128xf32>,
    %swap3A_1709 = arith.constant 0 : index
    %swap3A_1710 = arith.constant 8 : index
    %swap3A_1711 = arith.constant 0 : index
    %swap3A_1712 = arith.constant 0 : index
    %swap3A_1713 = vector.load %arg2[%swap3A_1709, %swap3A_1710, %swap3A_1711, %swap3A_1712] : memref<1x11x160x128xf32, #tpu.memory_space<vmem>>, vector<1x1x160x128xf32>
    %swap3A_1714 = vector.shape_cast %swap3A_1713 : vector<1x1x160x128xf32> to vector<160x128xf32>
    %swap3A_1715 = vector.shape_cast %add3A_1640 : vector<160x128xf32> to vector<1x1x160x128xf32>
    tpu.vector_store %arg2[%swap3A_1709, %swap3A_1710, %swap3A_1711, %swap3A_1712], %swap3A_1715 {strides = array<i32>} : memref<1x11x160x128xf32, #tpu.memory_space<vmem>>, vector<1x1x160x128xf32>,
    %swap3A_1716 = arith.constant 0 : index
    %swap3A_1717 = arith.constant 9 : index
    %swap3A_1718 = arith.constant 0 : index
    %swap3A_1719 = arith.constant 0 : index
    %swap3A_1720 = vector.load %arg2[%swap3A_1716, %swap3A_1717, %swap3A_1718, %swap3A_1719] : memref<1x11x160x128xf32, #tpu.memory_space<vmem>>, vector<1x1x160x128xf32>
    %swap3A_1721 = vector.shape_cast %swap3A_1720 : vector<1x1x160x128xf32> to vector<160x128xf32>
    %swap3A_1722 = vector.shape_cast %convert_element_type3A : vector<160x128xf32> to vector<1x1x160x128xf32>
    tpu.vector_store %arg2[%swap3A_1716, %swap3A_1717, %swap3A_1718, %swap3A_1719], %swap3A_1722 {strides = array<i32>} : memref<1x11x160x128xf32, #tpu.memory_space<vmem>>, vector<1x1x160x128xf32>,
    %swap3A_1723 = arith.constant 0 : index
    %swap3A_1724 = arith.constant 10 : index
    %swap3A_1725 = arith.constant 0 : index
    %swap3A_1726 = arith.constant 0 : index
    %swap3A_1727 = vector.load %arg2[%swap3A_1723, %swap3A_1724, %swap3A_1725, %swap3A_1726] : memref<1x11x160x128xf32, #tpu.memory_space<vmem>>, vector<1x1x160x128xf32>
    %swap3A_1728 = vector.shape_cast %swap3A_1727 : vector<1x1x160x128xf32> to vector<160x128xf32>
    %swap3A_1729 = vector.shape_cast %mul3A : vector<160x128xf32> to vector<1x1x160x128xf32>
    tpu.vector_store %arg2[%swap3A_1723, %swap3A_1724, %swap3A_1725, %swap3A_1726], %swap3A_1729 {strides = array<i32>} : memref<1x11x160x128xf32, #tpu.memory_space<vmem>>, vector<1x1x160x128xf32>,
    return
  }
  func.func @transform_0(%arg0: i32) -> (i32, i32, i32, i32) {
    %c0_i32 = arith.constant 0 : i32
    %c0_i32_0 = arith.constant 0 : i32
    %c0_i32_1 = arith.constant 0 : i32
    %c0_i32_2 = arith.constant 0 : i32
    return %arg0, %c0_i32, %c0_i32_0, %c0_i32_1 : i32, i32, i32, i32
  }
  func.func @transform_1(%arg0: i32) -> (i32, i32, i32, i32) {
    %c0_i32 = arith.constant 0 : i32
    %c0_i32_0 = arith.constant 0 : i32
    %c0_i32_1 = arith.constant 0 : i32
    %c0_i32_2 = arith.constant 0 : i32
    return %arg0, %c0_i32, %c0_i32_0, %c0_i32_1 : i32, i32, i32, i32
  }
}

</mosaic_0001>

<sc_bundles>
// kernel: sparse-core-data-format-call.cloned.1.call-start
scs
called_computation_lowered:
.L_overlay_start_0:
0x0: {  	s1 =	sld [smem:$0x3FD9]  }
0x1: {  	s2 =	sld [smem:$0x3FFE];
	_ =	sdelay $0x1  }
0x2: {  	s3 =	srdreg.scid  }
0x3: {  	s0 =	sand.u32 $0x1, s3  }
0x4: {  	s17 =	sshll.u32 s0, $0xA;
	s1 =	sadd.s32 s2, s1  }
0x5: {  	s1 =	sadd.s32 s1, s17  }
0x6: {  	[smem:$0x3FC7] =	sst s1  }
0x7: {  	_ = 	snop  }
0x8: {  	(tm) =	ssettm $0x1  }
0x9: {  	s18 =	sld [smem:$0x3FFB];
	_ =	sdelay $0x3  }
0xa: {  	_ =	strace s18  }
0xb: {  	s1 =	sld [smem:$0x3FFC];
	_ =	sdelay $0x3  }
0xc: {  	_ =	strace s1  }
0xd: {  	s1 =	sld [smem:$0x3FFD];
	_ =	sdelay $0x3  }
0xe: {  	_ =	strace s1  }
0xf: {  	_ =	strace $0x8FFFFFFF  }
0x10: {  	s19 =	sld [smem:$0x3FDB];
	_ =	sdelay $0x1  }
0x11: {  	s20 =	simm.s32 $_scs_section_size  }
0x12: {  	s4 =	simm.s32 $_size__tile_overlayer_lowered;
	s5 =	simm.s32 $_tile_overlayer_lowered  }
0x13: {  	s23 =	simm.s32 $0x1BFF;
	s22 =	sshll.u32 s5, $0x1;
	s1 =	sadd.s32 s20, s19  }
0x14: {  	s6 =	simm.s32 $0x0;
	s21 =	sshll.u32 s4, $0x1;
	s4 =	sadd.s32 s22, s1  }
0x15: {  	[timem:s6], [sflag:s23] =	dma.local [hbm:s4], s21  }
0x16: {  	_ =	swait.ge [sflag:s23], s21  }
0x17: {  	s2 =	ssub.s32 $0x0, s21;
	[sflag:s23] =	ssyncset.done $0x0  }
0x18: {  	[sflag:s23] =	ssyncadd.s32 s2;
	_ =	sdelay $0x1  }
0x19: {  	s24 =	simm.s32 $0x1B8B  }
0x1a: {  	_ =	swait.ge [sflag:s24], $0x1  }
0x1b: {  	[sflag:s24] =	ssyncset.done $0x0  }
0x1c: {  	s26 =	simm.s32 $0x1B8E;
	s25 =	sld [smem:$0x3FFE];
	[sflag:s24] =	ssyncadd.s32 $0xFFFFFFFF  }
0x1d: {  	s27 =	simm.s32 $execute0_lowered;
	[smem:$0x3FD2] =	sst s26  }
0x1e: {  	s4 =	sshll.u32 s27, $0x1;
	_ =	strace $0x80000046;
	[dreg:$0x1] =	wrdreg $0xFFFFFFFF  }
0x1f: {  	s28 =	simm.s32 $_size_execute0_lowered;
	s1 =	sadd.s32 s1, s4;
	[dreg:$0x0] =	wrdreg $0x0  }
0x20: {  	s4 =	sshll.u32 s28, $0x1;
	[dreg:$0x2] =	wrdreg s1  }
0x21: {  	[dreg:$0x3] =	wrdreg s4  }
0x22: {  	[dreg:$0x4] =	wrdreg $0xC0  }
0x23: {  	_ =	task [dreg:s6], $0x5FFFF  }
0x24: {  	[dreg:$0x1] =	wrdreg $0xFFFFFFFF  }
0x25: {  	[dreg:$0x0] =	wrdreg $0x60  }
0x26: {  	[dreg:$0x2] =	wrdreg s25  }
0x27: {  	[dreg:$0x3] =	wrdreg $0x9  }
0x28: {  	_ =	task.clear_ibuf [dreg:s6], $0x4FFFF;
	_ =	strace $0x90000046  }
0x29: {  	s29 =	simm.s32 $0x9;
	_ =	strace $0x80000048  }
0x2a: {  	_ =	swait.ge [sflag:s29], $0x1  }
0x2b: {  	[sflag:s29] =	ssyncadd.s32 $0xFFFFFFFF  }
0x2c: {  	_ =	strace $0x90000048  }
0x2d: {  	_ =	sfence  }
0x2e: {  	s30 =	sld [smem:$0x0];
	_ =	sdelay $0x2  }
0x2f: {  	s31 =	sshll.u32 s3, $0xD;
	s3 =	sshrl.u32 s3, $0x2  }
0x30: {  	s2 =	sand.u32 $0x4000, s31;
	s1 =	sadd.s32 s3, s30  }
0x31: {  	s0 =	sor.u32 s2, s0;
	s1 =	sshll.u32 s1, $0x11  }
0x32: {  	s0 =	sor.u32 s1, s0  }
0x33: {  	s0 =	sadd.s32 $0x8F2B, s0  }
0x34: {  	[sflag:s0] =	ssyncadd.remote.s32 $0x1  }
0x35: {  	_ =	sfence.sel $0xFFFF  }
0x36: {  	[dreg:$0x0] =	wrdreg $0xFFFFFFFF;
	(pc) =	sbr.abs _section_cstart, $3  }
0x37: {  	[dreg:$0x1] =	wrdreg $0xFFFFFFFF  }
0x38: {  	_ =	task.clear_ibuf [dreg:s6], $0x2FFFF;
	_ =	strace $0x9FFFFFFF  }
0x39: {  	(tm) =	ssettm $0x7FFFFFFF  }
tec
execute0_lowered:
.L_overlay_start_1:
0x0: {  	(tag) =	ssettag $0x1  }
0x1: {  	s0 =	srdreg.scid;
	s6 =	rddreg [dreg:$0x0];
	s4 =	simm.s32 $0x1  }
0x2: {  	s7 =	simm.s32 $0x2;
	s14 =	simm.s32 $0x0;
	s1 =	sshll.u32 s0, $0x4  }
0x3: {  	s8 =	simm.s32 $0x800;
	s0 =	stileid.u32;
	s1 =	sand.u32 $0x10, s1  }
0x4: {  	s9 =	simm.s32 $0x5000;
	s10 =	simm.s32 $0x0;
	s2 =	sor.u32 s0, s1  }
.Ltmp0:
0x5: {  	s15 =	simm.s32 $0x0;
	s3 =	ssub.s32 $0xC7, s2;
	(pc) =	sbr.rel .LBB1_1-.Ltmp0, $4  }
0x6: {  	s11 =	simm.s32 $0x0;
	s13 =	simm.s32 $0x0;
	s5 =	sshrl.u32 s3, $0x5  }
0x7: {  	s1 =	rddreg [dreg:$0x1];
	_ =	strace $0x80000047;
	s5 =	smul.u32 $0xA, s5  }
0x8: {  	[sflag:s4] =	ssyncpa.u1 $0x0;
	s12 =	smov.u32 s2;
	s3 =	sadd.s32 $0x400, s6  }
0x9: {  	s6 =	sadd.s32 $0x348400, s6;
	[sflag:s7] =	ssyncpa.u1 $0x0;
	s7 =	sor.u32 $0x1, s5  }
.LBB1_7:
0xa: {  	s16 =	sadd.s32 $0x10, s11  }
0xb: {  	s14 =	sadd.s32 $0x20, s12;
	s18 =	smov.u32 s12;
	p1 =	sgt.s32 s16, $0x9F  }
0xc: {  	s18 =	smov.u32 @p1 s14  }
0xd: {  	s16 =	simm.s32 @p1 $0x0;
	p1 =	sgt.s32 s18, $0xA7  }
0xe: {  	s18 =	smov.u32 @p1 s2;
	p1 =	sne.s32 s13, s7  }
.Ltmp1:
0xf: {  	p0 =	slt.u32 s13, $0x2;
	(pc) =	sbr.rel @!p1 .LBB1_8-.Ltmp1, $4  }
0x10: {  	s17 =	simm.s32 @!p0 $0x2  }
0x11: {  	s15 =	smov.u32 s12;
	s10 =	sadd.s32 $0x4000, s10;
	_ =	swait.ge @!p0 [sflag:s17], $0x4000  }
0x12: {  	s14 =	smov.u32 s11;
	[sflag:s17] =	ssyncset.done @!p0 $0x0;
	s11 =	smov.u32 s16  }
0x13: {  	s13 =	sadd.s32 $0x1, s13;
	[sflag:s17] =	ssyncadd.s32 @!p0 $0xFFFFC000;
	s12 =	smov.u32 s18  }
.LBB1_1:
0x14: {  	p0 =	sge.u32 s13, s5  }
0x15: {  	s16 =	smul.u32 @!p0 $0x5000, s12  }
0x16: {  	s31 =	sadd.s32 $0xFFFFFFFF, s13;
	s17 =	sxor.u32 @!p0 $0xFFFFFFFF, s13  }
0x17: {  	s18 =	sshll.u32 @!p0 s11, $0x7;
	s17 =	sshll.u32 @!p0 s17, $0xE;
	s16 =	sadd.s32 @!p0 s3, s16  }
0x18: {  	s17 =	sand.u32 @!p0 $0x4000, s17;
	s16 =	sadd.s32 @!p0 s18, s16;
	s18 =	simm.s32 @!p0 $0x0  }
0x19: {  	[tilespmem:s17], [sflag:$0x1] =	stream.linear.gather @!p0 [hbm4b:s16+s18], $0x4000, $0x38;
	[tilespmem:$0x10000] =	vst v63  }
0x1a: {  	p0 =	sge.u32 s31, s5  }
.Ltmp2:
0x1b: {  	_ = 	snop;
	(pc) =	sbr.rel @p0 .LBB1_7-.Ltmp2, $1  }
0x1c: {  	_ =	sdelay $0x3  }
0x1d: {  	s16 =	sand.u32 $0x4000, s10  }
0x1e: {  	_ =	swait.ge [sflag:s4], $0x4000;
	s19 =	sshll.u32 s13, $0xE;
	s17 =	sor.u32 $0x8040, s16  }
0x1f: {  	s18 =	sor.u32 $0x40, s16;
	[sflag:s4] =	ssyncset.done $0x0;
	s31 =	sand.u32 $0x4000, s19  }
0x20: {  	s19 =	simm.s32 $0x0;
	[sflag:s4] =	ssyncadd.s32 $0xFFFFC000;
	s16 =	sor.u32 $0x8000, s31  }
.LBB1_3:
0x21: {  	v0 =	vmov s18;
	_ =	sdelay $0x3  }
0x22: {  	s21 =	simm.s32 $0x0  }
0x23: {  	v6 =	vld.idx.msk [tilespmem:v0+s21+$0x30 ss:$0x1], $0xffff  }
0x24: {  	v7 =	vld.idx.msk [tilespmem:v0+s21+$0xFFFFFFC0 ss:$0x1], $0xffff  }
0x25: {  	v5 =	vld.idx.msk [tilespmem:v0+s21+$0xFFFFFFD0 ss:$0x1], $0xffff  }
0x26: {  	v4 =	vld.idx.msk [tilespmem:v0+s21+$0xFFFFFFE0 ss:$0x1], $0xffff  }
0x27: {  	v3 =	vld.idx.msk [tilespmem:v0+s21+$0xFFFFFFF0 ss:$0x1], $0xffff  }
0x28: {  	v1 =	vld.idx.msk [tilespmem:v0+s21+$0x0 ss:$0x1], $0xffff  }
0x29: {  	v2 =	vld.idx.msk [tilespmem:v0+s21+$0x10 ss:$0x1], $0xffff;
	[tilespmem:s17+$0x30] =	vst v6  }
0x2a: {  	s20 =	simm.s32 $0x80;
	s22 =	simm.s32 $0x400;
	[tilespmem:s17+$0xFFFFFFC0] =	vst v7;
	v6 =	vld.idx.msk [tilespmem:v0+s21+$0x20 ss:$0x1], $0xffff;
	s21 =	smov.u32 s17  }
.LBB1_4:
0x2b: {  	p0 =	sne.s32 s22, $0xE00;
	v7 =	vld.idx.msk [tilespmem:v0+s20+$0x30 ss:$0x1], $0xffff;
	[tilespmem:s21+$0xFFFFFFD0] =	vst v5  }
0x2c: {  	v8 =	vld.idx.msk [tilespmem:v0+s20+$0xFFFFFFC0 ss:$0x1], $0xffff;
	[tilespmem:s21+$0xFFFFFFE0] =	vst v4  }
0x2d: {  	v5 =	vld.idx.msk [tilespmem:v0+s20+$0xFFFFFFD0 ss:$0x1], $0xffff;
	[tilespmem:s21+$0xFFFFFFF0] =	vst v3  }
.Ltmp3:
0x2e: {  	v4 =	vld.idx.msk [tilespmem:v0+s20+$0xFFFFFFE0 ss:$0x1], $0xffff;
	[tilespmem:s21+$0x0] =	vst v1;
	(pc) =	sbr.rel @p0 .LBB1_4-.Ltmp3, $4  }
0x2f: {  	v3 =	vld.idx.msk [tilespmem:v0+s20+$0xFFFFFFF0 ss:$0x1], $0xffff;
	[tilespmem:s21+$0x10] =	vst v2  }
0x30: {  	v1 =	vld.idx.msk [tilespmem:v0+s20+$0x0 ss:$0x1], $0xffff;
	[tilespmem:s21+$0x20] =	vst v6;
	s21 =	sadd.s32 $0x800, s21  }
0x31: {  	v2 =	vld.idx.msk [tilespmem:v0+s20+$0x10 ss:$0x1], $0xffff;
	[tilespmem:s21+$0x30] =	vst v7  }
0x32: {  	[tilespmem:s21+$0xFFFFFFC0] =	vst v8;
	v6 =	vld.idx.msk [tilespmem:v0+s20+$0x20 ss:$0x1], $0xffff;
	s20 =	sshra.s32 s22, $0x2;
	s22 =	sadd.s32 $0x200, s22  }
0x33: {  	_ =	sdelay $0x2  }
0x34: {  	[tilespmem:s21+$0xFFFFFFD0] =	vst v5  }
0x35: {  	v56 =	vld.idx.msk [tilespmem:v0+s20+$0x30 ss:$0x1], $0xffff;
	[tilespmem:s21+$0xFFFFFFE0] =	vst v4  }
0x36: {  	v57 =	vld.idx.msk [tilespmem:v0+s20+$0xFFFFFFC0 ss:$0x1], $0xffff;
	[tilespmem:s21+$0xFFFFFFF0] =	vst v3  }
0x37: {  	v58 =	vld.idx.msk [tilespmem:v0+s20+$0xFFFFFFD0 ss:$0x1], $0xffff;
	[tilespmem:s21+$0x0] =	vst v1  }
0x38: {  	v59 =	vld.idx.msk [tilespmem:v0+s20+$0xFFFFFFE0 ss:$0x1], $0xffff;
	[tilespmem:s21+$0x10] =	vst v2  }
0x39: {  	v60 =	vld.idx.msk [tilespmem:v0+s20+$0xFFFFFFF0 ss:$0x1], $0xffff;
	s31 =	sadd.s32 $0x800, s21;
	[tilespmem:s21+$0x20] =	vst v6  }
0x3a: {  	v61 =	vld.idx.msk [tilespmem:v0+s20+$0x0 ss:$0x1], $0xffff;
	[tilespmem:s31+$0x30] =	vst v56  }
0x3b: {  	v62 =	vld.idx.msk [tilespmem:v0+s20+$0x10 ss:$0x1], $0xffff;
	s19 =	sadd.s32 $0x1, s19;
	[tilespmem:s31+$0xFFFFFFC0] =	vst v57  }
0x3c: {  	v63 =	vld.idx.msk [tilespmem:v0+s20+$0x20 ss:$0x1], $0xffff;
	p0 =	sne.s32 s19, $0x10;
	[tilespmem:s31+$0xFFFFFFD0] =	vst v58  }
.Ltmp4:
0x3d: {  	[tilespmem:s31+$0xFFFFFFE0] =	vst v59;
	(pc) =	sbr.rel @p0 .LBB1_3-.Ltmp4, $4  }
0x3e: {  	[tilespmem:s31+$0xFFFFFFF0] =	vst v60  }
0x3f: {  	[tilespmem:s31+$0x0] =	vst v61  }
0x40: {  	[tilespmem:s31+$0x10] =	vst v62  }
0x41: {  	s17 =	sadd.s32 $0x80, s17;
	s18 =	sadd.s32 $0x400, s18;
	[tilespmem:s31+$0x20] =	vst v63  }
0x42: {  	s14 =	sand.u32 $0x1FFFFFF, s14  }
0x43: {  	s17 =	smulhi.u32 $0x199999A, s14  }
0x44: {  	s15 =	smul.u32 $0x5000, s15  }
0x45: {  	s17 =	smul.u32 $0xA0, s17  }
.Ltmp5:
0x46: {  	_ = 	snop;
	(pc) =	sbr.rel .LBB1_7-.Ltmp5, $4  }
0x47: {  	s14 =	ssub.s32 s14, s17  }
0x48: {  	s15 =	sadd.s32 s6, s15;
	s14 =	sshll.u32 s14, $0x4  }
0x49: {  	s14 =	sadd.s32 s14, s15  }
0x4a: {  	[hbm4b:s14+s8] =	stream.strided.scatter [tilespmem:s16], [sflag:$0x2], $0x4000, s9, s8, $0x38;
	[tilespmem:$0x10000] =	vst v63  }
.LBB1_8:
0x4b: {  	_ =	sfence.sel $0x180000  }
0x4c: {  	s2 =	simm.s32 $0x1;
	[bflag:$0x0] =	sbarrier.arrive $0xFFFF  }
0x4d: {  	s31 =	simm.s32 $0x2;
	[sflag:s2] =	ssyncpa.u1 $0x1  }
0x4e: {  	[sflag:s31] =	ssyncpa.u1 $0x1  }
0x4f: {  	p0 =	sne.s32 s0, $0x0;
	_ =	strace $0x90000047  }
0x50: {  	s0 =	sadd.s32 @!p0 $0x100000, s1;
	[bflag:$0x2] =	sbarrier.arrive $0xFFFF  }
0x51: {  	[sflag:s0] =	ssyncadd.tile.s32 @!p0 $0x1;
	_ =	shalt  }
.Lfunc_end1:
_tile_overlayer_lowered:
.L_overlay_start_2:
0x52: {  	(tag) =	ssettag $0x2  }
0x53: {  	s0 =	rddreg [dreg:$0x0];
	s2 =	stileid.u32  }
0x54: {  	s1 =	rddreg [dreg:$0x1];
	p0 =	sne.s32 s2, $0x0  }
0x55: {  	s3 =	rddreg [dreg:$0x2];
	[bflag:$0x3] =	sbarrier.arrive $0xFFFF;
	s2 =	simm.s32 @!p0 $0x1C01  }
0x56: {  	[timem:s3], [sflag:s2] =	dma.local @!p0 [hbm:s0], s1  }
0x57: {  	s0 =	simm.s32 @!p0 $0x1  }
0x58: {  	_ =	swait.ge @!p0 [sflag:s0], s1  }
0x59: {  	s1 =	ssub.s32 @!p0 $0x0, s1;
	[sflag:s0] =	ssyncset.done @!p0 $0x0  }
0x5a: {  	[sflag:s0] =	ssyncadd.s32 @!p0 s1  }
0x5b: {  	[bflag:$0x3] =	sbarrier.arrive $0xFFFF  }
0x5c: {  	_ =	shalt  }

</sc_bundles>
